<compile_context>
chip_gen: v7x
topology: tpu7x:2x2x1
jax: 0.10.2.dev20260603
libtpu: 0.0.44.dev20260713+nightly
codegen_flags: <defaults>
</compile_context>

<pallas_src>
import functools

import jax
import jax.numpy as jnp
from jax import lax
from jax.experimental import pallas as pl
from jax.experimental.pallas import tpu as pltpu
from jax.experimental.pallas import tpu_sc as plsc

NC = 2
NS = 16
L = 16
NW = NC * NS


def _sc_spmm(x, srcp, dstp, wp, n, d, nb):
    ept = nb * 128
    mesh = plsc.VectorSubcoreMesh(
        core_axis_name="c", subcore_axis_name="s", num_cores=NC, num_subcores=NS
    )
    rpt = 8 * (-(-n // (NS * 8)))
    last = n - (NS - 1) * rpt

    @functools.partial(
        pl.kernel,
        out_type=jax.ShapeDtypeStruct((NC, n, d), jnp.float32),
        mesh=mesh,
        compiler_params=pltpu.CompilerParams(needs_layout_passes=False),
        scratch_types=[
            pltpu.VMEM((3, 128), jnp.int32),
            pltpu.VMEM((3, 128), jnp.int32),
            pltpu.VMEM((3, 128), jnp.float32),
            pltpu.VMEM((128, d), jnp.float32),
            pltpu.VMEM((128, d), jnp.float32),
            pltpu.VMEM((128, d), jnp.float32),
            pltpu.VMEM_SHARED((n, d), jnp.float32),
            pltpu.SemaphoreType.DMA,
            pltpu.SemaphoreType.DMA,
            pltpu.SemaphoreType.DMA,
            pltpu.SemaphoreType.DMA,
            pltpu.SemaphoreType.DMA,
            pltpu.SemaphoreType.DMA,
            pltpu.SemaphoreType.DMA,
            pltpu.SemaphoreType.DMA,
            pltpu.SemaphoreType.DMA,
            pltpu.SemaphoreType.DMA,
            pltpu.SemaphoreType.DMA,
            pltpu.SemaphoreType.DMA,
        ],
    )
    def k(x_hbm, src_hbm, dst_hbm, w_hbm, part_hbm,
          src_i, dst_i, w_i, r0, r1, r2, acc,
          gsem0, gsem1, gsem2, ssem0, ssem1, ssem2, isem0, isem1, isem2,
          dsem0, dsem1, dsem2):
        c = lax.axis_index("c")
        s = lax.axis_index("s")
        wid = c * NS + s
        rbuf = (r0, r1, r2)
        gsem = (gsem0, gsem1, gsem2)
        ssem = (ssem0, ssem1, ssem2)
        isem = (isem0, isem1, isem2)
        dsem = (dsem0, dsem1, dsem2)

        def sw_load(j, slot):
            base = wid * ept + j * 128
            pltpu.async_copy(
                src_hbm.at[pl.ds(base, 128)], src_i.at[slot], isem[slot])
            pltpu.async_copy(
                w_hbm.at[pl.ds(base, 128)], w_i.at[slot], isem[slot])

        def sw_wait(j, slot):
            base = wid * ept + j * 128
            pltpu.make_async_copy(
                src_hbm.at[pl.ds(base, 128)], src_i.at[slot], isem[slot]).wait()
            pltpu.make_async_copy(
                w_hbm.at[pl.ds(base, 128)], w_i.at[slot], isem[slot]).wait()

        def dst_load(j, slot):
            base = wid * ept + j * 128
            pltpu.async_copy(
                dst_hbm.at[pl.ds(base, 128)], dst_i.at[slot], dsem[slot])

        def dst_wait(j, slot):
            base = wid * ept + j * 128
            pltpu.make_async_copy(
                dst_hbm.at[pl.ds(base, 128)], dst_i.at[slot], dsem[slot]).wait()

        fzeros16 = jnp.zeros((L,), jnp.float32)

        def zrow(i, carry):
            for k8 in range(d // L):
                r0[i, pl.ds(k8 * L, L)] = fzeros16
            return carry

        lax.fori_loop(0, 128, zrow, 0)

        def zfill(lo, sz):
            for kk in range(sz // 128):
                pltpu.sync_copy(r0, acc.at[pl.ds(lo + kk * 128, 128)])
            rem = sz % 128
            if rem:
                pltpu.sync_copy(r0.at[pl.ds(0, rem)],
                                acc.at[pl.ds(lo + (sz // 128) * 128, rem)])

        @pl.when(s < NS - 1)
        def _():
            zfill(s * rpt, rpt)

        @pl.when(s == NS - 1)
        def _():
            zfill((NS - 1) * rpt, last)

        sw_load(0, 0)
        sw_load(1, 1)
        sw_load(2, 2)
        dst_load(0, 0)
        dst_load(1, 1)
        plsc.subcore_barrier()
        sw_wait(0, 0)
        sw_wait(1, 1)
        pltpu.async_copy(x_hbm.at[src_i.at[0]], r0, gsem0)
        pltpu.async_copy(x_hbm.at[src_i.at[1]], r1, gsem1)

        zeros16 = jnp.zeros((L,), jnp.int32)

        def round_(g, carry):
            for b in range(3):
                j = 3 * g + b
                b2 = (b + 2) % 3

                pltpu.make_async_copy(
                    x_hbm.at[src_i.at[b]], rbuf[b], gsem[b]).wait()

                bsplat = zeros16 + b

                @plsc.parallel_loop(0, 128, unroll=4)
                def _(e):
                    esplat = zeros16 + e
                    wv = plsc.load_gather(w_i, [bsplat, esplat])
                    for k8 in range(d // L):
                        sl = pl.ds(k8 * L, L)
                        rbuf[b][e, sl] = rbuf[b][e, sl] * wv

                @pl.when(j > 0)
                def _():
                    pltpu.make_async_copy(
                        rbuf[b2], acc.at[dst_i.at[b2]], ssem[b2]).wait()

                dst_wait(j, b)
                pltpu.async_copy(
                    rbuf[b], acc.at[dst_i.at[b]], ssem[b], add=True)

                @pl.when(j + 2 < nb)
                def _():
                    dst_load(j + 2, b2)
                    sw_wait(j + 2, b2)
                    pltpu.async_copy(
                        x_hbm.at[src_i.at[b2]], rbuf[b2], gsem[b2])

                @pl.when(j + 3 < nb)
                def _():
                    sw_load(j + 3, b)
            return carry

        lax.fori_loop(0, nb // 3, round_, 0)
        blast = (nb - 1) % 3
        pltpu.make_async_copy(
            rbuf[blast], acc.at[dst_i.at[blast]], ssem[blast]).wait()
        plsc.subcore_barrier()

        @pl.when(s < NS - 1)
        def _():
            pltpu.sync_copy(acc.at[pl.ds(s * rpt, rpt)],
                            part_hbm.at[c, pl.ds(s * rpt, rpt)])

        @pl.when(s == NS - 1)
        def _():
            pltpu.sync_copy(acc.at[pl.ds((NS - 1) * rpt, last)],
                            part_hbm.at[c, pl.ds((NS - 1) * rpt, last)])

    return k(x, srcp, dstp, wp)


def _combine(x, part):
    n, d = x.shape
    blk = 2000

    def body(x_ref, p_ref, o_ref):
        f = p_ref[0] + p_ref[1]
        o_ref[...] = x_ref[...] + jnp.maximum(f, 0.0)

    return pl.pallas_call(
        body,
        grid=(n // blk,),
        in_specs=[
            pl.BlockSpec((blk, d), lambda i: (i, 0)),
            pl.BlockSpec((NC, blk, d), lambda i: (0, i, 0)),
        ],
        out_specs=pl.BlockSpec((blk, d), lambda i: (i, 0)),
        out_shape=jax.ShapeDtypeStruct((n, d), jnp.float32),
    )(x, part)


def kernel(x, edge_index, edge_values):
    n, d = x.shape
    e = edge_values.shape[0]
    nb = -(-e // (NW * 128))
    nb += (-nb) % 3
    ept = nb * 128
    epad = ept * NW
    dst = edge_index[0]
    src = edge_index[1]
    pad = epad - e
    pad_idx = jnp.arange(pad, dtype=dst.dtype) % n
    srcp = jnp.concatenate([src, pad_idx])
    dstp = jnp.concatenate([dst, pad_idx])
    wp = jnp.pad(edge_values, (0, pad))
    part = _sc_spmm(x, srcp, dstp, wp, n, d, nb)
    return _combine(x, part)

# --- scband reference (transcript-rebuilt; emitter-appended) ---
"""Pipeline reference for scband-res-block-16071767622282 (READ-ONLY COPY).

The authoritative reference and input builder live on the scoring server;
editing this copy changes nothing except your own understanding.
"""

import jax, jax.numpy as jnp
import numpy as np

N_NODES = 10000
N_EDGES = 320000
D_FEAT = 128


def setup_inputs(seed: int = 0) -> dict:
    key = jax.random.key(seed)
    k1, k2, k3 = jax.random.split(key, 3)
    x = jax.random.normal(k1, (N_NODES, D_FEAT), dtype=jnp.float32)
    edge_index = jax.random.randint(k2, (2, N_EDGES), 0, N_NODES)
    edge_values = jax.random.uniform(k3, (N_EDGES,), dtype=jnp.float32)
    return {"x": x, "edge_index": edge_index, "edge_values": edge_values}


def reference(x, edge_index, edge_values):
    # ResBlock.forward with normalize=False, time_varying=False, Euler=False,
    # dropout=0 (identity in eval):
    #   shortcut = x
    #   f = torch.sparse.mm(A, x)   # A is COO: rows=edge_index[0], cols=edge_index[1], vals=edge_values
    #   f = relu(f)
    #   return shortcut + f * time_step   # time_step = 1
    dst = edge_index[0]
    src = edge_index[1]
    gathered = jnp.take(x, src, axis=0) * edge_values[:, None]
    f = jax.ops.segment_sum(gathered, dst, num_segments=N_NODES)
    f = jax.nn.relu(f)
    return x + f * 1.0

if __name__ == "__main__":
    import jax
    _d = setup_inputs()
    print(jax.jit(kernel)(*tuple(_d.values())))

</pallas_src>

<mosaic_0001>
#map = affine_map<(d0, d1) -> (0, 0)>
#map1 = affine_map<(d0, d1) -> (0)>
#map2 = affine_map<(d0, d1) -> (0, 0, 0)>
module attributes {stable_mosaic.version = 14 : i64} {
  func.func @k(%arg0: i32, %arg1: i32, %arg2: memref<10000x128xf32, #tpu.memory_space<hbm>>, %arg3: memref<331776xi32, #tpu.memory_space<hbm>>, %arg4: memref<331776xi32, #tpu.memory_space<hbm>>, %arg5: memref<331776xf32, #tpu.memory_space<hbm>>, %arg6: memref<2x10000x128xf32, #tpu.memory_space<hbm>>, %arg7: memref<3x128xi32, #tpu.memory_space<vmem>>, %arg8: memref<3x128xi32, #tpu.memory_space<vmem>>, %arg9: memref<3x128xf32, #tpu.memory_space<vmem>>, %arg10: memref<128x128xf32, #tpu.memory_space<vmem>>, %arg11: memref<128x128xf32, #tpu.memory_space<vmem>>, %arg12: memref<128x128xf32, #tpu.memory_space<vmem>>, %arg13: memref<10000x128xf32, #tpu.memory_space<vmem_shared>>, %arg14: memref<!tpu.dma_semaphore, #tpu.memory_space<semaphore_mem>>, %arg15: memref<!tpu.dma_semaphore, #tpu.memory_space<semaphore_mem>>, %arg16: memref<!tpu.dma_semaphore, #tpu.memory_space<semaphore_mem>>, %arg17: memref<!tpu.dma_semaphore, #tpu.memory_space<semaphore_mem>>, %arg18: memref<!tpu.dma_semaphore, #tpu.memory_space<semaphore_mem>>, %arg19: memref<!tpu.dma_semaphore, #tpu.memory_space<semaphore_mem>>, %arg20: memref<!tpu.dma_semaphore, #tpu.memory_space<semaphore_mem>>, %arg21: memref<!tpu.dma_semaphore, #tpu.memory_space<semaphore_mem>>, %arg22: memref<!tpu.dma_semaphore, #tpu.memory_space<semaphore_mem>>, %arg23: memref<!tpu.dma_semaphore, #tpu.memory_space<semaphore_mem>>, %arg24: memref<!tpu.dma_semaphore, #tpu.memory_space<semaphore_mem>>, %arg25: memref<!tpu.dma_semaphore, #tpu.memory_space<semaphore_mem>>) attributes {dimension_semantics = [#tpu.dimension_semantics<core_parallel>, #tpu.dimension_semantics<subcore_parallel>], iteration_bounds = array<i64: 2, 16>, scalar_prefetch = 0 : i64, scratch_operands = 19 : i64, tpu.core_type = #tpu.core_type<sc_vector_subcore>, window_params = [{transform_indices = #map}, {transform_indices = #map1}, {transform_indices = #map1}, {transform_indices = #map1}, {transform_indices = #map2}]} {
    %mul3A = arith.constant 16 : i32
    %mul3A_0 = arith.muli %arg0, %mul3A : i32
    %add3A = arith.addi %mul3A_0, %arg1 : i32
    %broadcast_in_dim3A = arith.constant 0.000000e+00 : f32
    %broadcast_in_dim3A_1 = vector.broadcast %broadcast_in_dim3A : f32 to vector<16xf32>
    %scan3A = arith.constant 0 : i32
    %scan3A_2 = arith.constant 0 : i32
    %scan3A_3 = arith.constant 128 : i32
    %scan3A_4 = arith.addi %scan3A_2, %scan3A_3 : i32
    %scan3A_5 = arith.constant 1 : i32
    scf.for %scan3A_187 = %scan3A_2 to %scan3A_4 step %scan3A_5  : i32 {
      %swap3A = arith.index_cast %scan3A_187 : i32 to index
      %swap3A_188 = arith.constant 0 : index
      %swap3A_189 = tpu.vector_load %arg10[%swap3A, %swap3A_188] {strides = array<i32>} : memref<128x128xf32, #tpu.memory_space<vmem>>, vector<16xf32>,
      tpu.vector_store %arg10[%swap3A, %swap3A_188], %broadcast_in_dim3A_1 {strides = array<i32>} : memref<128x128xf32, #tpu.memory_space<vmem>>, vector<16xf32>,
      %swap3A_190 = arith.index_cast %scan3A_187 : i32 to index
      %swap3A_191 = arith.constant 16 : index
      %swap3A_192 = tpu.vector_load %arg10[%swap3A_190, %swap3A_191] {strides = array<i32>} : memref<128x128xf32, #tpu.memory_space<vmem>>, vector<16xf32>,
      tpu.vector_store %arg10[%swap3A_190, %swap3A_191], %broadcast_in_dim3A_1 {strides = array<i32>} : memref<128x128xf32, #tpu.memory_space<vmem>>, vector<16xf32>,
      %swap3A_193 = arith.index_cast %scan3A_187 : i32 to index
      %swap3A_194 = arith.constant 32 : index
      %swap3A_195 = tpu.vector_load %arg10[%swap3A_193, %swap3A_194] {strides = array<i32>} : memref<128x128xf32, #tpu.memory_space<vmem>>, vector<16xf32>,
      tpu.vector_store %arg10[%swap3A_193, %swap3A_194], %broadcast_in_dim3A_1 {strides = array<i32>} : memref<128x128xf32, #tpu.memory_space<vmem>>, vector<16xf32>,
      %swap3A_196 = arith.index_cast %scan3A_187 : i32 to index
      %swap3A_197 = arith.constant 48 : index
      %swap3A_198 = tpu.vector_load %arg10[%swap3A_196, %swap3A_197] {strides = array<i32>} : memref<128x128xf32, #tpu.memory_space<vmem>>, vector<16xf32>,
      tpu.vector_store %arg10[%swap3A_196, %swap3A_197], %broadcast_in_dim3A_1 {strides = array<i32>} : memref<128x128xf32, #tpu.memory_space<vmem>>, vector<16xf32>,
      %swap3A_199 = arith.index_cast %scan3A_187 : i32 to index
      %swap3A_200 = arith.constant 64 : index
      %swap3A_201 = tpu.vector_load %arg10[%swap3A_199, %swap3A_200] {strides = array<i32>} : memref<128x128xf32, #tpu.memory_space<vmem>>, vector<16xf32>,
      tpu.vector_store %arg10[%swap3A_199, %swap3A_200], %broadcast_in_dim3A_1 {strides = array<i32>} : memref<128x128xf32, #tpu.memory_space<vmem>>, vector<16xf32>,
      %swap3A_202 = arith.index_cast %scan3A_187 : i32 to index
      %swap3A_203 = arith.constant 80 : index
      %swap3A_204 = tpu.vector_load %arg10[%swap3A_202, %swap3A_203] {strides = array<i32>} : memref<128x128xf32, #tpu.memory_space<vmem>>, vector<16xf32>,
      tpu.vector_store %arg10[%swap3A_202, %swap3A_203], %broadcast_in_dim3A_1 {strides = array<i32>} : memref<128x128xf32, #tpu.memory_space<vmem>>, vector<16xf32>,
      %swap3A_205 = arith.index_cast %scan3A_187 : i32 to index
      %swap3A_206 = arith.constant 96 : index
      %swap3A_207 = tpu.vector_load %arg10[%swap3A_205, %swap3A_206] {strides = array<i32>} : memref<128x128xf32, #tpu.memory_space<vmem>>, vector<16xf32>,
      tpu.vector_store %arg10[%swap3A_205, %swap3A_206], %broadcast_in_dim3A_1 {strides = array<i32>} : memref<128x128xf32, #tpu.memory_space<vmem>>, vector<16xf32>,
      %swap3A_208 = arith.index_cast %scan3A_187 : i32 to index
      %swap3A_209 = arith.constant 112 : index
      %swap3A_210 = tpu.vector_load %arg10[%swap3A_208, %swap3A_209] {strides = array<i32>} : memref<128x128xf32, #tpu.memory_space<vmem>>, vector<16xf32>,
      tpu.vector_store %arg10[%swap3A_208, %swap3A_209], %broadcast_in_dim3A_1 {strides = array<i32>} : memref<128x128xf32, #tpu.memory_space<vmem>>, vector<16xf32>,
    }
    %scan3A_6 = arith.constant 128 : i32
    %lt3A = arith.constant 15 : i32
    %lt3A_7 = arith.cmpi slt, %arg1, %lt3A : i32
    %convert_element_type3A = arith.extui %lt3A_7 : i1 to i32
    %cond3A = arith.constant 0 : i32
    %cond3A_8 = arith.cmpi ne, %convert_element_type3A, %cond3A : i32
    scf.if %cond3A_8 {
      %mul3A_187 = arith.constant 632 : i32
      %mul3A_188 = arith.muli %arg1, %mul3A_187 : i32
      %add3A_189 = arith.constant 0 : i32
      %add3A_190 = arith.addi %mul3A_188, %add3A_189 : i32
      "tpu.region"() ({
        %run_scoped3A = tpu.sem_alloc : memref<!tpu.dma_semaphore, #tpu.memory_space<semaphore_mem>>
        %dma_start3A_199 = arith.constant 0 : i32
        %dma_start3A_200 = tpu.memref_slice %arg13[%add3A_190, %dma_start3A_199] : memref<10000x128xf32, #tpu.memory_space<vmem_shared>> -> memref<128x128xf32, #tpu.memory_space<vmem_shared>>
        %dma_start3A_201 = arith.constant 0 : i32
        %dma_start3A_202 = tpu.memref_slice %arg13[%add3A_190, %dma_start3A_201] : memref<10000x128xf32, #tpu.memory_space<vmem_shared>> -> memref<128x128xf32, #tpu.memory_space<vmem_shared>>
        tpu.enqueue_dma source(%arg10 : memref<128x128xf32, #tpu.memory_space<vmem>>) target(%dma_start3A_202 : memref<128x128xf32, #tpu.memory_space<vmem_shared>>) target_semaphore(%run_scoped3A : memref<!tpu.dma_semaphore, #tpu.memory_space<semaphore_mem>>)
        %dma_wait3A_203 = arith.constant 0 : i32
        %dma_wait3A_204 = tpu.memref_slice %arg13[%add3A_190, %dma_wait3A_203] : memref<10000x128xf32, #tpu.memory_space<vmem_shared>> -> memref<128x128xf32, #tpu.memory_space<vmem_shared>>
        %dma_wait3A_205 = arith.constant 0 : i32
        %dma_wait3A_206 = tpu.memref_slice %arg13[%add3A_190, %dma_wait3A_205] : memref<10000x128xf32, #tpu.memory_space<vmem_shared>> -> memref<128x128xf32, #tpu.memory_space<vmem_shared>>
        tpu.wait_dma2 semaphore(%run_scoped3A : memref<!tpu.dma_semaphore, #tpu.memory_space<semaphore_mem>>) src(%arg10 : memref<128x128xf32, #tpu.memory_space<vmem>>) dst(%dma_wait3A_206 : memref<128x128xf32, #tpu.memory_space<vmem_shared>>)
        tpu.yield
      }) : () -> ()
      %add3A_191 = arith.constant 128 : i32
      %add3A_192 = arith.addi %mul3A_188, %add3A_191 : i32
      "tpu.region"() ({
        %run_scoped3A = tpu.sem_alloc : memref<!tpu.dma_semaphore, #tpu.memory_space<semaphore_mem>>
        %dma_start3A_199 = arith.constant 0 : i32
        %dma_start3A_200 = tpu.memref_slice %arg13[%add3A_192, %dma_start3A_199] : memref<10000x128xf32, #tpu.memory_space<vmem_shared>> -> memref<128x128xf32, #tpu.memory_space<vmem_shared>>
        %dma_start3A_201 = arith.constant 0 : i32
        %dma_start3A_202 = tpu.memref_slice %arg13[%add3A_192, %dma_start3A_201] : memref<10000x128xf32, #tpu.memory_space<vmem_shared>> -> memref<128x128xf32, #tpu.memory_space<vmem_shared>>
        tpu.enqueue_dma source(%arg10 : memref<128x128xf32, #tpu.memory_space<vmem>>) target(%dma_start3A_202 : memref<128x128xf32, #tpu.memory_space<vmem_shared>>) target_semaphore(%run_scoped3A : memref<!tpu.dma_semaphore, #tpu.memory_space<semaphore_mem>>)
        %dma_wait3A_203 = arith.constant 0 : i32
        %dma_wait3A_204 = tpu.memref_slice %arg13[%add3A_192, %dma_wait3A_203] : memref<10000x128xf32, #tpu.memory_space<vmem_shared>> -> memref<128x128xf32, #tpu.memory_space<vmem_shared>>
        %dma_wait3A_205 = arith.constant 0 : i32
        %dma_wait3A_206 = tpu.memref_slice %arg13[%add3A_192, %dma_wait3A_205] : memref<10000x128xf32, #tpu.memory_space<vmem_shared>> -> memref<128x128xf32, #tpu.memory_space<vmem_shared>>
        tpu.wait_dma2 semaphore(%run_scoped3A : memref<!tpu.dma_semaphore, #tpu.memory_space<semaphore_mem>>) src(%arg10 : memref<128x128xf32, #tpu.memory_space<vmem>>) dst(%dma_wait3A_206 : memref<128x128xf32, #tpu.memory_space<vmem_shared>>)
        tpu.yield
      }) : () -> ()
      %add3A_193 = arith.constant 256 : i32
      %add3A_194 = arith.addi %mul3A_188, %add3A_193 : i32
      "tpu.region"() ({
        %run_scoped3A = tpu.sem_alloc : memref<!tpu.dma_semaphore, #tpu.memory_space<semaphore_mem>>
        %dma_start3A_199 = arith.constant 0 : i32
        %dma_start3A_200 = tpu.memref_slice %arg13[%add3A_194, %dma_start3A_199] : memref<10000x128xf32, #tpu.memory_space<vmem_shared>> -> memref<128x128xf32, #tpu.memory_space<vmem_shared>>
        %dma_start3A_201 = arith.constant 0 : i32
        %dma_start3A_202 = tpu.memref_slice %arg13[%add3A_194, %dma_start3A_201] : memref<10000x128xf32, #tpu.memory_space<vmem_shared>> -> memref<128x128xf32, #tpu.memory_space<vmem_shared>>
        tpu.enqueue_dma source(%arg10 : memref<128x128xf32, #tpu.memory_space<vmem>>) target(%dma_start3A_202 : memref<128x128xf32, #tpu.memory_space<vmem_shared>>) target_semaphore(%run_scoped3A : memref<!tpu.dma_semaphore, #tpu.memory_space<semaphore_mem>>)
        %dma_wait3A_203 = arith.constant 0 : i32
        %dma_wait3A_204 = tpu.memref_slice %arg13[%add3A_194, %dma_wait3A_203] : memref<10000x128xf32, #tpu.memory_space<vmem_shared>> -> memref<128x128xf32, #tpu.memory_space<vmem_shared>>
        %dma_wait3A_205 = arith.constant 0 : i32
        %dma_wait3A_206 = tpu.memref_slice %arg13[%add3A_194, %dma_wait3A_205] : memref<10000x128xf32, #tpu.memory_space<vmem_shared>> -> memref<128x128xf32, #tpu.memory_space<vmem_shared>>
        tpu.wait_dma2 semaphore(%run_scoped3A : memref<!tpu.dma_semaphore, #tpu.memory_space<semaphore_mem>>) src(%arg10 : memref<128x128xf32, #tpu.memory_space<vmem>>) dst(%dma_wait3A_206 : memref<128x128xf32, #tpu.memory_space<vmem_shared>>)
        tpu.yield
      }) : () -> ()
      %add3A_195 = arith.constant 384 : i32
      %add3A_196 = arith.addi %mul3A_188, %add3A_195 : i32
      "tpu.region"() ({
        %run_scoped3A = tpu.sem_alloc : memref<!tpu.dma_semaphore, #tpu.memory_space<semaphore_mem>>
        %dma_start3A_199 = arith.constant 0 : i32
        %dma_start3A_200 = tpu.memref_slice %arg13[%add3A_196, %dma_start3A_199] : memref<10000x128xf32, #tpu.memory_space<vmem_shared>> -> memref<128x128xf32, #tpu.memory_space<vmem_shared>>
        %dma_start3A_201 = arith.constant 0 : i32
        %dma_start3A_202 = tpu.memref_slice %arg13[%add3A_196, %dma_start3A_201] : memref<10000x128xf32, #tpu.memory_space<vmem_shared>> -> memref<128x128xf32, #tpu.memory_space<vmem_shared>>
        tpu.enqueue_dma source(%arg10 : memref<128x128xf32, #tpu.memory_space<vmem>>) target(%dma_start3A_202 : memref<128x128xf32, #tpu.memory_space<vmem_shared>>) target_semaphore(%run_scoped3A : memref<!tpu.dma_semaphore, #tpu.memory_space<semaphore_mem>>)
        %dma_wait3A_203 = arith.constant 0 : i32
        %dma_wait3A_204 = tpu.memref_slice %arg13[%add3A_196, %dma_wait3A_203] : memref<10000x128xf32, #tpu.memory_space<vmem_shared>> -> memref<128x128xf32, #tpu.memory_space<vmem_shared>>
        %dma_wait3A_205 = arith.constant 0 : i32
        %dma_wait3A_206 = tpu.memref_slice %arg13[%add3A_196, %dma_wait3A_205] : memref<10000x128xf32, #tpu.memory_space<vmem_shared>> -> memref<128x128xf32, #tpu.memory_space<vmem_shared>>
        tpu.wait_dma2 semaphore(%run_scoped3A : memref<!tpu.dma_semaphore, #tpu.memory_space<semaphore_mem>>) src(%arg10 : memref<128x128xf32, #tpu.memory_space<vmem>>) dst(%dma_wait3A_206 : memref<128x128xf32, #tpu.memory_space<vmem_shared>>)
        tpu.yield
      }) : () -> ()
      %add3A_197 = arith.constant 512 : i32
      %add3A_198 = arith.addi %mul3A_188, %add3A_197 : i32
      "tpu.region"() ({
        %run_scoped3A = tpu.sem_alloc : memref<!tpu.dma_semaphore, #tpu.memory_space<semaphore_mem>>
        %dma_start3A_199 = arith.constant 0 : i32
        %dma_start3A_200 = arith.constant 0 : i32
        %dma_start3A_201 = tpu.memref_slice %arg10[%dma_start3A_199, %dma_start3A_200] : memref<128x128xf32, #tpu.memory_space<vmem>> -> memref<120x128xf32, #tpu.memory_space<vmem>>
        %dma_start3A_202 = arith.constant 0 : i32
        %dma_start3A_203 = tpu.memref_slice %arg13[%add3A_198, %dma_start3A_202] : memref<10000x128xf32, #tpu.memory_space<vmem_shared>> -> memref<120x128xf32, #tpu.memory_space<vmem_shared>>
        %dma_start3A_204 = arith.constant 0 : i32
        %dma_start3A_205 = tpu.memref_slice %arg13[%add3A_198, %dma_start3A_204] : memref<10000x128xf32, #tpu.memory_space<vmem_shared>> -> memref<120x128xf32, #tpu.memory_space<vmem_shared>>
        %dma_start3A_206 = arith.constant 0 : i32
        %dma_start3A_207 = arith.constant 0 : i32
        %dma_start3A_208 = tpu.memref_slice %arg10[%dma_start3A_206, %dma_start3A_207] : memref<128x128xf32, #tpu.memory_space<vmem>> -> memref<120x128xf32, #tpu.memory_space<vmem>>
        tpu.enqueue_dma source(%dma_start3A_208 : memref<120x128xf32, #tpu.memory_space<vmem>>) target(%dma_start3A_205 : memref<120x128xf32, #tpu.memory_space<vmem_shared>>) target_semaphore(%run_scoped3A : memref<!tpu.dma_semaphore, #tpu.memory_space<semaphore_mem>>)
        %dma_wait3A_209 = arith.constant 0 : i32
        %dma_wait3A_210 = arith.constant 0 : i32
        %dma_wait3A_211 = tpu.memref_slice %arg10[%dma_wait3A_209, %dma_wait3A_210] : memref<128x128xf32, #tpu.memory_space<vmem>> -> memref<120x128xf32, #tpu.memory_space<vmem>>
        %dma_wait3A_212 = arith.constant 0 : i32
        %dma_wait3A_213 = tpu.memref_slice %arg13[%add3A_198, %dma_wait3A_212] : memref<10000x128xf32, #tpu.memory_space<vmem_shared>> -> memref<120x128xf32, #tpu.memory_space<vmem_shared>>
        %dma_wait3A_214 = arith.constant 0 : i32
        %dma_wait3A_215 = tpu.memref_slice %arg13[%add3A_198, %dma_wait3A_214] : memref<10000x128xf32, #tpu.memory_space<vmem_shared>> -> memref<120x128xf32, #tpu.memory_space<vmem_shared>>
        %dma_wait3A_216 = arith.constant 0 : i32
        %dma_wait3A_217 = arith.constant 0 : i32
        %dma_wait3A_218 = tpu.memref_slice %arg10[%dma_wait3A_216, %dma_wait3A_217] : memref<128x128xf32, #tpu.memory_space<vmem>> -> memref<120x128xf32, #tpu.memory_space<vmem>>
        tpu.wait_dma2 semaphore(%run_scoped3A : memref<!tpu.dma_semaphore, #tpu.memory_space<semaphore_mem>>) src(%dma_wait3A_218 : memref<120x128xf32, #tpu.memory_space<vmem>>) dst(%dma_wait3A_215 : memref<120x128xf32, #tpu.memory_space<vmem_shared>>)
        tpu.yield
      }) : () -> ()
    } else {
    }
    %eq3A = arith.constant 15 : i32
    %eq3A_9 = arith.cmpi eq, %arg1, %eq3A : i32
    %convert_element_type3A_10 = arith.extui %eq3A_9 : i1 to i32
    %cond3A_11 = arith.constant 0 : i32
    %cond3A_12 = arith.cmpi ne, %convert_element_type3A_10, %cond3A_11 : i32
    scf.if %cond3A_12 {
      "tpu.region"() ({
        %run_scoped3A = tpu.sem_alloc : memref<!tpu.dma_semaphore, #tpu.memory_space<semaphore_mem>>
        %dma_start3A_187 = arith.constant 9480 : i32
        %dma_start3A_188 = arith.constant 0 : i32
        %dma_start3A_189 = tpu.memref_slice %arg13[%dma_start3A_187, %dma_start3A_188] : memref<10000x128xf32, #tpu.memory_space<vmem_shared>> -> memref<128x128xf32, #tpu.memory_space<vmem_shared>>
        %dma_start3A_190 = arith.constant 9480 : i32
        %dma_start3A_191 = arith.constant 0 : i32
        %dma_start3A_192 = tpu.memref_slice %arg13[%dma_start3A_190, %dma_start3A_191] : memref<10000x128xf32, #tpu.memory_space<vmem_shared>> -> memref<128x128xf32, #tpu.memory_space<vmem_shared>>
        tpu.enqueue_dma source(%arg10 : memref<128x128xf32, #tpu.memory_space<vmem>>) target(%dma_start3A_192 : memref<128x128xf32, #tpu.memory_space<vmem_shared>>) target_semaphore(%run_scoped3A : memref<!tpu.dma_semaphore, #tpu.memory_space<semaphore_mem>>)
        %dma_wait3A_193 = arith.constant 9480 : i32
        %dma_wait3A_194 = arith.constant 0 : i32
        %dma_wait3A_195 = tpu.memref_slice %arg13[%dma_wait3A_193, %dma_wait3A_194] : memref<10000x128xf32, #tpu.memory_space<vmem_shared>> -> memref<128x128xf32, #tpu.memory_space<vmem_shared>>
        %dma_wait3A_196 = arith.constant 9480 : i32
        %dma_wait3A_197 = arith.constant 0 : i32
        %dma_wait3A_198 = tpu.memref_slice %arg13[%dma_wait3A_196, %dma_wait3A_197] : memref<10000x128xf32, #tpu.memory_space<vmem_shared>> -> memref<128x128xf32, #tpu.memory_space<vmem_shared>>
        tpu.wait_dma2 semaphore(%run_scoped3A : memref<!tpu.dma_semaphore, #tpu.memory_space<semaphore_mem>>) src(%arg10 : memref<128x128xf32, #tpu.memory_space<vmem>>) dst(%dma_wait3A_198 : memref<128x128xf32, #tpu.memory_space<vmem_shared>>)
        tpu.yield
      }) : () -> ()
      "tpu.region"() ({
        %run_scoped3A = tpu.sem_alloc : memref<!tpu.dma_semaphore, #tpu.memory_space<semaphore_mem>>
        %dma_start3A_187 = arith.constant 9608 : i32
        %dma_start3A_188 = arith.constant 0 : i32
        %dma_start3A_189 = tpu.memref_slice %arg13[%dma_start3A_187, %dma_start3A_188] : memref<10000x128xf32, #tpu.memory_space<vmem_shared>> -> memref<128x128xf32, #tpu.memory_space<vmem_shared>>
        %dma_start3A_190 = arith.constant 9608 : i32
        %dma_start3A_191 = arith.constant 0 : i32
        %dma_start3A_192 = tpu.memref_slice %arg13[%dma_start3A_190, %dma_start3A_191] : memref<10000x128xf32, #tpu.memory_space<vmem_shared>> -> memref<128x128xf32, #tpu.memory_space<vmem_shared>>
        tpu.enqueue_dma source(%arg10 : memref<128x128xf32, #tpu.memory_space<vmem>>) target(%dma_start3A_192 : memref<128x128xf32, #tpu.memory_space<vmem_shared>>) target_semaphore(%run_scoped3A : memref<!tpu.dma_semaphore, #tpu.memory_space<semaphore_mem>>)
        %dma_wait3A_193 = arith.constant 9608 : i32
        %dma_wait3A_194 = arith.constant 0 : i32
        %dma_wait3A_195 = tpu.memref_slice %arg13[%dma_wait3A_193, %dma_wait3A_194] : memref<10000x128xf32, #tpu.memory_space<vmem_shared>> -> memref<128x128xf32, #tpu.memory_space<vmem_shared>>
        %dma_wait3A_196 = arith.constant 9608 : i32
        %dma_wait3A_197 = arith.constant 0 : i32
        %dma_wait3A_198 = tpu.memref_slice %arg13[%dma_wait3A_196, %dma_wait3A_197] : memref<10000x128xf32, #tpu.memory_space<vmem_shared>> -> memref<128x128xf32, #tpu.memory_space<vmem_shared>>
        tpu.wait_dma2 semaphore(%run_scoped3A : memref<!tpu.dma_semaphore, #tpu.memory_space<semaphore_mem>>) src(%arg10 : memref<128x128xf32, #tpu.memory_space<vmem>>) dst(%dma_wait3A_198 : memref<128x128xf32, #tpu.memory_space<vmem_shared>>)
        tpu.yield
      }) : () -> ()
      "tpu.region"() ({
        %run_scoped3A = tpu.sem_alloc : memref<!tpu.dma_semaphore, #tpu.memory_space<semaphore_mem>>
        %dma_start3A_187 = arith.constant 9736 : i32
        %dma_start3A_188 = arith.constant 0 : i32
        %dma_start3A_189 = tpu.memref_slice %arg13[%dma_start3A_187, %dma_start3A_188] : memref<10000x128xf32, #tpu.memory_space<vmem_shared>> -> memref<128x128xf32, #tpu.memory_space<vmem_shared>>
        %dma_start3A_190 = arith.constant 9736 : i32
        %dma_start3A_191 = arith.constant 0 : i32
        %dma_start3A_192 = tpu.memref_slice %arg13[%dma_start3A_190, %dma_start3A_191] : memref<10000x128xf32, #tpu.memory_space<vmem_shared>> -> memref<128x128xf32, #tpu.memory_space<vmem_shared>>
        tpu.enqueue_dma source(%arg10 : memref<128x128xf32, #tpu.memory_space<vmem>>) target(%dma_start3A_192 : memref<128x128xf32, #tpu.memory_space<vmem_shared>>) target_semaphore(%run_scoped3A : memref<!tpu.dma_semaphore, #tpu.memory_space<semaphore_mem>>)
        %dma_wait3A_193 = arith.constant 9736 : i32
        %dma_wait3A_194 = arith.constant 0 : i32
        %dma_wait3A_195 = tpu.memref_slice %arg13[%dma_wait3A_193, %dma_wait3A_194] : memref<10000x128xf32, #tpu.memory_space<vmem_shared>> -> memref<128x128xf32, #tpu.memory_space<vmem_shared>>
        %dma_wait3A_196 = arith.constant 9736 : i32
        %dma_wait3A_197 = arith.constant 0 : i32
        %dma_wait3A_198 = tpu.memref_slice %arg13[%dma_wait3A_196, %dma_wait3A_197] : memref<10000x128xf32, #tpu.memory_space<vmem_shared>> -> memref<128x128xf32, #tpu.memory_space<vmem_shared>>
        tpu.wait_dma2 semaphore(%run_scoped3A : memref<!tpu.dma_semaphore, #tpu.memory_space<semaphore_mem>>) src(%arg10 : memref<128x128xf32, #tpu.memory_space<vmem>>) dst(%dma_wait3A_198 : memref<128x128xf32, #tpu.memory_space<vmem_shared>>)
        tpu.yield
      }) : () -> ()
      "tpu.region"() ({
        %run_scoped3A = tpu.sem_alloc : memref<!tpu.dma_semaphore, #tpu.memory_space<semaphore_mem>>
        %dma_start3A_187 = arith.constant 9864 : i32
        %dma_start3A_188 = arith.constant 0 : i32
        %dma_start3A_189 = tpu.memref_slice %arg13[%dma_start3A_187, %dma_start3A_188] : memref<10000x128xf32, #tpu.memory_space<vmem_shared>> -> memref<128x128xf32, #tpu.memory_space<vmem_shared>>
        %dma_start3A_190 = arith.constant 9864 : i32
        %dma_start3A_191 = arith.constant 0 : i32
        %dma_start3A_192 = tpu.memref_slice %arg13[%dma_start3A_190, %dma_start3A_191] : memref<10000x128xf32, #tpu.memory_space<vmem_shared>> -> memref<128x128xf32, #tpu.memory_space<vmem_shared>>
        tpu.enqueue_dma source(%arg10 : memref<128x128xf32, #tpu.memory_space<vmem>>) target(%dma_start3A_192 : memref<128x128xf32, #tpu.memory_space<vmem_shared>>) target_semaphore(%run_scoped3A : memref<!tpu.dma_semaphore, #tpu.memory_space<semaphore_mem>>)
        %dma_wait3A_193 = arith.constant 9864 : i32
        %dma_wait3A_194 = arith.constant 0 : i32
        %dma_wait3A_195 = tpu.memref_slice %arg13[%dma_wait3A_193, %dma_wait3A_194] : memref<10000x128xf32, #tpu.memory_space<vmem_shared>> -> memref<128x128xf32, #tpu.memory_space<vmem_shared>>
        %dma_wait3A_196 = arith.constant 9864 : i32
        %dma_wait3A_197 = arith.constant 0 : i32
        %dma_wait3A_198 = tpu.memref_slice %arg13[%dma_wait3A_196, %dma_wait3A_197] : memref<10000x128xf32, #tpu.memory_space<vmem_shared>> -> memref<128x128xf32, #tpu.memory_space<vmem_shared>>
        tpu.wait_dma2 semaphore(%run_scoped3A : memref<!tpu.dma_semaphore, #tpu.memory_space<semaphore_mem>>) src(%arg10 : memref<128x128xf32, #tpu.memory_space<vmem>>) dst(%dma_wait3A_198 : memref<128x128xf32, #tpu.memory_space<vmem_shared>>)
        tpu.yield
      }) : () -> ()
      "tpu.region"() ({
        %run_scoped3A = tpu.sem_alloc : memref<!tpu.dma_semaphore, #tpu.memory_space<semaphore_mem>>
        %dma_start3A_187 = arith.constant 0 : i32
        %dma_start3A_188 = arith.constant 0 : i32
        %dma_start3A_189 = tpu.memref_slice %arg10[%dma_start3A_187, %dma_start3A_188] : memref<128x128xf32, #tpu.memory_space<vmem>> -> memref<8x128xf32, #tpu.memory_space<vmem>>
        %dma_start3A_190 = arith.constant 9992 : i32
        %dma_start3A_191 = arith.constant 0 : i32
        %dma_start3A_192 = tpu.memref_slice %arg13[%dma_start3A_190, %dma_start3A_191] : memref<10000x128xf32, #tpu.memory_space<vmem_shared>> -> memref<8x128xf32, #tpu.memory_space<vmem_shared>>
        %dma_start3A_193 = arith.constant 9992 : i32
        %dma_start3A_194 = arith.constant 0 : i32
        %dma_start3A_195 = tpu.memref_slice %arg13[%dma_start3A_193, %dma_start3A_194] : memref<10000x128xf32, #tpu.memory_space<vmem_shared>> -> memref<8x128xf32, #tpu.memory_space<vmem_shared>>
        %dma_start3A_196 = arith.constant 0 : i32
        %dma_start3A_197 = arith.constant 0 : i32
        %dma_start3A_198 = tpu.memref_slice %arg10[%dma_start3A_196, %dma_start3A_197] : memref<128x128xf32, #tpu.memory_space<vmem>> -> memref<8x128xf32, #tpu.memory_space<vmem>>
        tpu.enqueue_dma source(%dma_start3A_198 : memref<8x128xf32, #tpu.memory_space<vmem>>) target(%dma_start3A_195 : memref<8x128xf32, #tpu.memory_space<vmem_shared>>) target_semaphore(%run_scoped3A : memref<!tpu.dma_semaphore, #tpu.memory_space<semaphore_mem>>)
        %dma_wait3A_199 = arith.constant 0 : i32
        %dma_wait3A_200 = arith.constant 0 : i32
        %dma_wait3A_201 = tpu.memref_slice %arg10[%dma_wait3A_199, %dma_wait3A_200] : memref<128x128xf32, #tpu.memory_space<vmem>> -> memref<8x128xf32, #tpu.memory_space<vmem>>
        %dma_wait3A_202 = arith.constant 9992 : i32
        %dma_wait3A_203 = arith.constant 0 : i32
        %dma_wait3A_204 = tpu.memref_slice %arg13[%dma_wait3A_202, %dma_wait3A_203] : memref<10000x128xf32, #tpu.memory_space<vmem_shared>> -> memref<8x128xf32, #tpu.memory_space<vmem_shared>>
        %dma_wait3A_205 = arith.constant 9992 : i32
        %dma_wait3A_206 = arith.constant 0 : i32
        %dma_wait3A_207 = tpu.memref_slice %arg13[%dma_wait3A_205, %dma_wait3A_206] : memref<10000x128xf32, #tpu.memory_space<vmem_shared>> -> memref<8x128xf32, #tpu.memory_space<vmem_shared>>
        %dma_wait3A_208 = arith.constant 0 : i32
        %dma_wait3A_209 = arith.constant 0 : i32
        %dma_wait3A_210 = tpu.memref_slice %arg10[%dma_wait3A_208, %dma_wait3A_209] : memref<128x128xf32, #tpu.memory_space<vmem>> -> memref<8x128xf32, #tpu.memory_space<vmem>>
        tpu.wait_dma2 semaphore(%run_scoped3A : memref<!tpu.dma_semaphore, #tpu.memory_space<semaphore_mem>>) src(%dma_wait3A_210 : memref<8x128xf32, #tpu.memory_space<vmem>>) dst(%dma_wait3A_207 : memref<8x128xf32, #tpu.memory_space<vmem_shared>>)
        tpu.yield
      }) : () -> ()
    } else {
    }
    %mul3A_13 = arith.constant 10368 : i32
    %mul3A_14 = arith.muli %add3A, %mul3A_13 : i32
    %add3A_15 = arith.constant 0 : i32
    %add3A_16 = arith.addi %mul3A_14, %add3A_15 : i32
    %dma_start3A = arith.constant 0 : i32
    %dma_start3A_17 = arith.constant 0 : i32
    %dma_start3A_18 = tpu.memref_slice %arg7[%dma_start3A, %dma_start3A_17] : memref<3x128xi32, #tpu.memory_space<vmem>> -> memref<1x128xi32, #tpu.memory_space<vmem>>
    %dma_start3A_19 = tpu.memref_squeeze %dma_start3A_18 : memref<1x128xi32, #tpu.memory_space<vmem>> -> memref<128xi32, #tpu.memory_space<vmem>>
    %dma_start3A_20 = tpu.memref_slice %arg3[%add3A_16] : memref<331776xi32, #tpu.memory_space<hbm>> -> memref<128xi32, #tpu.memory_space<hbm>>
    %dma_start3A_21 = arith.constant 0 : i32
    %dma_start3A_22 = tpu.memref_slice %arg7[%dma_start3A, %dma_start3A_21] : memref<3x128xi32, #tpu.memory_space<vmem>> -> memref<1x128xi32, #tpu.memory_space<vmem>>
    %dma_start3A_23 = tpu.memref_squeeze %dma_start3A_22 : memref<1x128xi32, #tpu.memory_space<vmem>> -> memref<128xi32, #tpu.memory_space<vmem>>
    %dma_start3A_24 = tpu.memref_slice %arg3[%add3A_16] : memref<331776xi32, #tpu.memory_space<hbm>> -> memref<128xi32, #tpu.memory_space<hbm>>
    tpu.enqueue_dma source(%dma_start3A_24 : memref<128xi32, #tpu.memory_space<hbm>>) target(%dma_start3A_23 : memref<128xi32, #tpu.memory_space<vmem>>) target_semaphore(%arg20 : memref<!tpu.dma_semaphore, #tpu.memory_space<semaphore_mem>>)
    %dma_start3A_25 = arith.constant 0 : i32
    %dma_start3A_26 = arith.constant 0 : i32
    %dma_start3A_27 = tpu.memref_slice %arg9[%dma_start3A_25, %dma_start3A_26] : memref<3x128xf32, #tpu.memory_space<vmem>> -> memref<1x128xf32, #tpu.memory_space<vmem>>
    %dma_start3A_28 = tpu.memref_squeeze %dma_start3A_27 : memref<1x128xf32, #tpu.memory_space<vmem>> -> memref<128xf32, #tpu.memory_space<vmem>>
    %dma_start3A_29 = tpu.memref_slice %arg5[%add3A_16] : memref<331776xf32, #tpu.memory_space<hbm>> -> memref<128xf32, #tpu.memory_space<hbm>>
    %dma_start3A_30 = arith.constant 0 : i32
    %dma_start3A_31 = tpu.memref_slice %arg9[%dma_start3A_25, %dma_start3A_30] : memref<3x128xf32, #tpu.memory_space<vmem>> -> memref<1x128xf32, #tpu.memory_space<vmem>>
    %dma_start3A_32 = tpu.memref_squeeze %dma_start3A_31 : memref<1x128xf32, #tpu.memory_space<vmem>> -> memref<128xf32, #tpu.memory_space<vmem>>
    %dma_start3A_33 = tpu.memref_slice %arg5[%add3A_16] : memref<331776xf32, #tpu.memory_space<hbm>> -> memref<128xf32, #tpu.memory_space<hbm>>
    tpu.enqueue_dma source(%dma_start3A_33 : memref<128xf32, #tpu.memory_space<hbm>>) target(%dma_start3A_32 : memref<128xf32, #tpu.memory_space<vmem>>) target_semaphore(%arg20 : memref<!tpu.dma_semaphore, #tpu.memory_space<semaphore_mem>>)
    %mul3A_34 = arith.constant 10368 : i32
    %mul3A_35 = arith.muli %add3A, %mul3A_34 : i32
    %add3A_36 = arith.constant 128 : i32
    %add3A_37 = arith.addi %mul3A_35, %add3A_36 : i32
    %dma_start3A_38 = arith.constant 1 : i32
    %dma_start3A_39 = arith.constant 0 : i32
    %dma_start3A_40 = tpu.memref_slice %arg7[%dma_start3A_38, %dma_start3A_39] : memref<3x128xi32, #tpu.memory_space<vmem>> -> memref<1x128xi32, #tpu.memory_space<vmem>>
    %dma_start3A_41 = tpu.memref_squeeze %dma_start3A_40 : memref<1x128xi32, #tpu.memory_space<vmem>> -> memref<128xi32, #tpu.memory_space<vmem>>
    %dma_start3A_42 = tpu.memref_slice %arg3[%add3A_37] : memref<331776xi32, #tpu.memory_space<hbm>> -> memref<128xi32, #tpu.memory_space<hbm>>
    %dma_start3A_43 = arith.constant 0 : i32
    %dma_start3A_44 = tpu.memref_slice %arg7[%dma_start3A_38, %dma_start3A_43] : memref<3x128xi32, #tpu.memory_space<vmem>> -> memref<1x128xi32, #tpu.memory_space<vmem>>
    %dma_start3A_45 = tpu.memref_squeeze %dma_start3A_44 : memref<1x128xi32, #tpu.memory_space<vmem>> -> memref<128xi32, #tpu.memory_space<vmem>>
    %dma_start3A_46 = tpu.memref_slice %arg3[%add3A_37] : memref<331776xi32, #tpu.memory_space<hbm>> -> memref<128xi32, #tpu.memory_space<hbm>>
    tpu.enqueue_dma source(%dma_start3A_46 : memref<128xi32, #tpu.memory_space<hbm>>) target(%dma_start3A_45 : memref<128xi32, #tpu.memory_space<vmem>>) target_semaphore(%arg21 : memref<!tpu.dma_semaphore, #tpu.memory_space<semaphore_mem>>)
    %dma_start3A_47 = arith.constant 1 : i32
    %dma_start3A_48 = arith.constant 0 : i32
    %dma_start3A_49 = tpu.memref_slice %arg9[%dma_start3A_47, %dma_start3A_48] : memref<3x128xf32, #tpu.memory_space<vmem>> -> memref<1x128xf32, #tpu.memory_space<vmem>>
    %dma_start3A_50 = tpu.memref_squeeze %dma_start3A_49 : memref<1x128xf32, #tpu.memory_space<vmem>> -> memref<128xf32, #tpu.memory_space<vmem>>
    %dma_start3A_51 = tpu.memref_slice %arg5[%add3A_37] : memref<331776xf32, #tpu.memory_space<hbm>> -> memref<128xf32, #tpu.memory_space<hbm>>
    %dma_start3A_52 = arith.constant 0 : i32
    %dma_start3A_53 = tpu.memref_slice %arg9[%dma_start3A_47, %dma_start3A_52] : memref<3x128xf32, #tpu.memory_space<vmem>> -> memref<1x128xf32, #tpu.memory_space<vmem>>
    %dma_start3A_54 = tpu.memref_squeeze %dma_start3A_53 : memref<1x128xf32, #tpu.memory_space<vmem>> -> memref<128xf32, #tpu.memory_space<vmem>>
    %dma_start3A_55 = tpu.memref_slice %arg5[%add3A_37] : memref<331776xf32, #tpu.memory_space<hbm>> -> memref<128xf32, #tpu.memory_space<hbm>>
    tpu.enqueue_dma source(%dma_start3A_55 : memref<128xf32, #tpu.memory_space<hbm>>) target(%dma_start3A_54 : memref<128xf32, #tpu.memory_space<vmem>>) target_semaphore(%arg21 : memref<!tpu.dma_semaphore, #tpu.memory_space<semaphore_mem>>)
    %mul3A_56 = arith.constant 10368 : i32
    %mul3A_57 = arith.muli %add3A, %mul3A_56 : i32
    %add3A_58 = arith.constant 256 : i32
    %add3A_59 = arith.addi %mul3A_57, %add3A_58 : i32
    %dma_start3A_60 = arith.constant 2 : i32
    %dma_start3A_61 = arith.constant 0 : i32
    %dma_start3A_62 = tpu.memref_slice %arg7[%dma_start3A_60, %dma_start3A_61] : memref<3x128xi32, #tpu.memory_space<vmem>> -> memref<1x128xi32, #tpu.memory_space<vmem>>
    %dma_start3A_63 = tpu.memref_squeeze %dma_start3A_62 : memref<1x128xi32, #tpu.memory_space<vmem>> -> memref<128xi32, #tpu.memory_space<vmem>>
    %dma_start3A_64 = tpu.memref_slice %arg3[%add3A_59] : memref<331776xi32, #tpu.memory_space<hbm>> -> memref<128xi32, #tpu.memory_space<hbm>>
    %dma_start3A_65 = arith.constant 0 : i32
    %dma_start3A_66 = tpu.memref_slice %arg7[%dma_start3A_60, %dma_start3A_65] : memref<3x128xi32, #tpu.memory_space<vmem>> -> memref<1x128xi32, #tpu.memory_space<vmem>>
    %dma_start3A_67 = tpu.memref_squeeze %dma_start3A_66 : memref<1x128xi32, #tpu.memory_space<vmem>> -> memref<128xi32, #tpu.memory_space<vmem>>
    %dma_start3A_68 = tpu.memref_slice %arg3[%add3A_59] : memref<331776xi32, #tpu.memory_space<hbm>> -> memref<128xi32, #tpu.memory_space<hbm>>
    tpu.enqueue_dma source(%dma_start3A_68 : memref<128xi32, #tpu.memory_space<hbm>>) target(%dma_start3A_67 : memref<128xi32, #tpu.memory_space<vmem>>) target_semaphore(%arg22 : memref<!tpu.dma_semaphore, #tpu.memory_space<semaphore_mem>>)
    %dma_start3A_69 = arith.constant 2 : i32
    %dma_start3A_70 = arith.constant 0 : i32
    %dma_start3A_71 = tpu.memref_slice %arg9[%dma_start3A_69, %dma_start3A_70] : memref<3x128xf32, #tpu.memory_space<vmem>> -> memref<1x128xf32, #tpu.memory_space<vmem>>
    %dma_start3A_72 = tpu.memref_squeeze %dma_start3A_71 : memref<1x128xf32, #tpu.memory_space<vmem>> -> memref<128xf32, #tpu.memory_space<vmem>>
    %dma_start3A_73 = tpu.memref_slice %arg5[%add3A_59] : memref<331776xf32, #tpu.memory_space<hbm>> -> memref<128xf32, #tpu.memory_space<hbm>>
    %dma_start3A_74 = arith.constant 0 : i32
    %dma_start3A_75 = tpu.memref_slice %arg9[%dma_start3A_69, %dma_start3A_74] : memref<3x128xf32, #tpu.memory_space<vmem>> -> memref<1x128xf32, #tpu.memory_space<vmem>>
    %dma_start3A_76 = tpu.memref_squeeze %dma_start3A_75 : memref<1x128xf32, #tpu.memory_space<vmem>> -> memref<128xf32, #tpu.memory_space<vmem>>
    %dma_start3A_77 = tpu.memref_slice %arg5[%add3A_59] : memref<331776xf32, #tpu.memory_space<hbm>> -> memref<128xf32, #tpu.memory_space<hbm>>
    tpu.enqueue_dma source(%dma_start3A_77 : memref<128xf32, #tpu.memory_space<hbm>>) target(%dma_start3A_76 : memref<128xf32, #tpu.memory_space<vmem>>) target_semaphore(%arg22 : memref<!tpu.dma_semaphore, #tpu.memory_space<semaphore_mem>>)
    %mul3A_78 = arith.constant 10368 : i32
    %mul3A_79 = arith.muli %add3A, %mul3A_78 : i32
    %add3A_80 = arith.constant 0 : i32
    %add3A_81 = arith.addi %mul3A_79, %add3A_80 : i32
    %dma_start3A_82 = arith.constant 0 : i32
    %dma_start3A_83 = arith.constant 0 : i32
    %dma_start3A_84 = tpu.memref_slice %arg8[%dma_start3A_82, %dma_start3A_83] : memref<3x128xi32, #tpu.memory_space<vmem>> -> memref<1x128xi32, #tpu.memory_space<vmem>>
    %dma_start3A_85 = tpu.memref_squeeze %dma_start3A_84 : memref<1x128xi32, #tpu.memory_space<vmem>> -> memref<128xi32, #tpu.memory_space<vmem>>
    %dma_start3A_86 = tpu.memref_slice %arg4[%add3A_81] : memref<331776xi32, #tpu.memory_space<hbm>> -> memref<128xi32, #tpu.memory_space<hbm>>
    %dma_start3A_87 = arith.constant 0 : i32
    %dma_start3A_88 = tpu.memref_slice %arg8[%dma_start3A_82, %dma_start3A_87] : memref<3x128xi32, #tpu.memory_space<vmem>> -> memref<1x128xi32, #tpu.memory_space<vmem>>
    %dma_start3A_89 = tpu.memref_squeeze %dma_start3A_88 : memref<1x128xi32, #tpu.memory_space<vmem>> -> memref<128xi32, #tpu.memory_space<vmem>>
    %dma_start3A_90 = tpu.memref_slice %arg4[%add3A_81] : memref<331776xi32, #tpu.memory_space<hbm>> -> memref<128xi32, #tpu.memory_space<hbm>>
    tpu.enqueue_dma source(%dma_start3A_90 : memref<128xi32, #tpu.memory_space<hbm>>) target(%dma_start3A_89 : memref<128xi32, #tpu.memory_space<vmem>>) target_semaphore(%arg23 : memref<!tpu.dma_semaphore, #tpu.memory_space<semaphore_mem>>)
    %mul3A_91 = arith.constant 10368 : i32
    %mul3A_92 = arith.muli %add3A, %mul3A_91 : i32
    %add3A_93 = arith.constant 128 : i32
    %add3A_94 = arith.addi %mul3A_92, %add3A_93 : i32
    %dma_start3A_95 = arith.constant 1 : i32
    %dma_start3A_96 = arith.constant 0 : i32
    %dma_start3A_97 = tpu.memref_slice %arg8[%dma_start3A_95, %dma_start3A_96] : memref<3x128xi32, #tpu.memory_space<vmem>> -> memref<1x128xi32, #tpu.memory_space<vmem>>
    %dma_start3A_98 = tpu.memref_squeeze %dma_start3A_97 : memref<1x128xi32, #tpu.memory_space<vmem>> -> memref<128xi32, #tpu.memory_space<vmem>>
    %dma_start3A_99 = tpu.memref_slice %arg4[%add3A_94] : memref<331776xi32, #tpu.memory_space<hbm>> -> memref<128xi32, #tpu.memory_space<hbm>>
    %dma_start3A_100 = arith.constant 0 : i32
    %dma_start3A_101 = tpu.memref_slice %arg8[%dma_start3A_95, %dma_start3A_100] : memref<3x128xi32, #tpu.memory_space<vmem>> -> memref<1x128xi32, #tpu.memory_space<vmem>>
    %dma_start3A_102 = tpu.memref_squeeze %dma_start3A_101 : memref<1x128xi32, #tpu.memory_space<vmem>> -> memref<128xi32, #tpu.memory_space<vmem>>
    %dma_start3A_103 = tpu.memref_slice %arg4[%add3A_94] : memref<331776xi32, #tpu.memory_space<hbm>> -> memref<128xi32, #tpu.memory_space<hbm>>
    tpu.enqueue_dma source(%dma_start3A_103 : memref<128xi32, #tpu.memory_space<hbm>>) target(%dma_start3A_102 : memref<128xi32, #tpu.memory_space<vmem>>) target_semaphore(%arg24 : memref<!tpu.dma_semaphore, #tpu.memory_space<semaphore_mem>>)
    %barrier3A = arith.constant 0 : index
    tpu.barrier barrier_id(%barrier3A)
    %mul3A_104 = arith.constant 10368 : i32
    %mul3A_105 = arith.muli %add3A, %mul3A_104 : i32
    %add3A_106 = arith.constant 0 : i32
    %add3A_107 = arith.addi %mul3A_105, %add3A_106 : i32
    %dma_wait3A = arith.constant 0 : i32
    %dma_wait3A_108 = arith.constant 0 : i32
    %dma_wait3A_109 = tpu.memref_slice %arg7[%dma_wait3A, %dma_wait3A_108] : memref<3x128xi32, #tpu.memory_space<vmem>> -> memref<1x128xi32, #tpu.memory_space<vmem>>
    %dma_wait3A_110 = tpu.memref_squeeze %dma_wait3A_109 : memref<1x128xi32, #tpu.memory_space<vmem>> -> memref<128xi32, #tpu.memory_space<vmem>>
    %dma_wait3A_111 = tpu.memref_slice %arg3[%add3A_107] : memref<331776xi32, #tpu.memory_space<hbm>> -> memref<128xi32, #tpu.memory_space<hbm>>
    %dma_wait3A_112 = arith.constant 0 : i32
    %dma_wait3A_113 = tpu.memref_slice %arg7[%dma_wait3A, %dma_wait3A_112] : memref<3x128xi32, #tpu.memory_space<vmem>> -> memref<1x128xi32, #tpu.memory_space<vmem>>
    %dma_wait3A_114 = tpu.memref_squeeze %dma_wait3A_113 : memref<1x128xi32, #tpu.memory_space<vmem>> -> memref<128xi32, #tpu.memory_space<vmem>>
    %dma_wait3A_115 = tpu.memref_slice %arg3[%add3A_107] : memref<331776xi32, #tpu.memory_space<hbm>> -> memref<128xi32, #tpu.memory_space<hbm>>
    tpu.wait_dma2 semaphore(%arg20 : memref<!tpu.dma_semaphore, #tpu.memory_space<semaphore_mem>>) src(%dma_wait3A_115 : memref<128xi32, #tpu.memory_space<hbm>>) dst(%dma_wait3A_114 : memref<128xi32, #tpu.memory_space<vmem>>)
    %dma_wait3A_116 = arith.constant 0 : i32
    %dma_wait3A_117 = arith.constant 0 : i32
    %dma_wait3A_118 = tpu.memref_slice %arg9[%dma_wait3A_116, %dma_wait3A_117] : memref<3x128xf32, #tpu.memory_space<vmem>> -> memref<1x128xf32, #tpu.memory_space<vmem>>
    %dma_wait3A_119 = tpu.memref_squeeze %dma_wait3A_118 : memref<1x128xf32, #tpu.memory_space<vmem>> -> memref<128xf32, #tpu.memory_space<vmem>>
    %dma_wait3A_120 = tpu.memref_slice %arg5[%add3A_107] : memref<331776xf32, #tpu.memory_space<hbm>> -> memref<128xf32, #tpu.memory_space<hbm>>
    %dma_wait3A_121 = arith.constant 0 : i32
    %dma_wait3A_122 = tpu.memref_slice %arg9[%dma_wait3A_116, %dma_wait3A_121] : memref<3x128xf32, #tpu.memory_space<vmem>> -> memref<1x128xf32, #tpu.memory_space<vmem>>
    %dma_wait3A_123 = tpu.memref_squeeze %dma_wait3A_122 : memref<1x128xf32, #tpu.memory_space<vmem>> -> memref<128xf32, #tpu.memory_space<vmem>>
    %dma_wait3A_124 = tpu.memref_slice %arg5[%add3A_107] : memref<331776xf32, #tpu.memory_space<hbm>> -> memref<128xf32, #tpu.memory_space<hbm>>
    tpu.wait_dma2 semaphore(%arg20 : memref<!tpu.dma_semaphore, #tpu.memory_space<semaphore_mem>>) src(%dma_wait3A_124 : memref<128xf32, #tpu.memory_space<hbm>>) dst(%dma_wait3A_123 : memref<128xf32, #tpu.memory_space<vmem>>)
    %mul3A_125 = arith.constant 10368 : i32
    %mul3A_126 = arith.muli %add3A, %mul3A_125 : i32
    %add3A_127 = arith.constant 128 : i32
    %add3A_128 = arith.addi %mul3A_126, %add3A_127 : i32
    %dma_wait3A_129 = arith.constant 1 : i32
    %dma_wait3A_130 = arith.constant 0 : i32
    %dma_wait3A_131 = tpu.memref_slice %arg7[%dma_wait3A_129, %dma_wait3A_130] : memref<3x128xi32, #tpu.memory_space<vmem>> -> memref<1x128xi32, #tpu.memory_space<vmem>>
    %dma_wait3A_132 = tpu.memref_squeeze %dma_wait3A_131 : memref<1x128xi32, #tpu.memory_space<vmem>> -> memref<128xi32, #tpu.memory_space<vmem>>
    %dma_wait3A_133 = tpu.memref_slice %arg3[%add3A_128] : memref<331776xi32, #tpu.memory_space<hbm>> -> memref<128xi32, #tpu.memory_space<hbm>>
    %dma_wait3A_134 = arith.constant 0 : i32
    %dma_wait3A_135 = tpu.memref_slice %arg7[%dma_wait3A_129, %dma_wait3A_134] : memref<3x128xi32, #tpu.memory_space<vmem>> -> memref<1x128xi32, #tpu.memory_space<vmem>>
    %dma_wait3A_136 = tpu.memref_squeeze %dma_wait3A_135 : memref<1x128xi32, #tpu.memory_space<vmem>> -> memref<128xi32, #tpu.memory_space<vmem>>
    %dma_wait3A_137 = tpu.memref_slice %arg3[%add3A_128] : memref<331776xi32, #tpu.memory_space<hbm>> -> memref<128xi32, #tpu.memory_space<hbm>>
    tpu.wait_dma2 semaphore(%arg21 : memref<!tpu.dma_semaphore, #tpu.memory_space<semaphore_mem>>) src(%dma_wait3A_137 : memref<128xi32, #tpu.memory_space<hbm>>) dst(%dma_wait3A_136 : memref<128xi32, #tpu.memory_space<vmem>>)
    %dma_wait3A_138 = arith.constant 1 : i32
    %dma_wait3A_139 = arith.constant 0 : i32
    %dma_wait3A_140 = tpu.memref_slice %arg9[%dma_wait3A_138, %dma_wait3A_139] : memref<3x128xf32, #tpu.memory_space<vmem>> -> memref<1x128xf32, #tpu.memory_space<vmem>>
    %dma_wait3A_141 = tpu.memref_squeeze %dma_wait3A_140 : memref<1x128xf32, #tpu.memory_space<vmem>> -> memref<128xf32, #tpu.memory_space<vmem>>
    %dma_wait3A_142 = tpu.memref_slice %arg5[%add3A_128] : memref<331776xf32, #tpu.memory_space<hbm>> -> memref<128xf32, #tpu.memory_space<hbm>>
    %dma_wait3A_143 = arith.constant 0 : i32
    %dma_wait3A_144 = tpu.memref_slice %arg9[%dma_wait3A_138, %dma_wait3A_143] : memref<3x128xf32, #tpu.memory_space<vmem>> -> memref<1x128xf32, #tpu.memory_space<vmem>>
    %dma_wait3A_145 = tpu.memref_squeeze %dma_wait3A_144 : memref<1x128xf32, #tpu.memory_space<vmem>> -> memref<128xf32, #tpu.memory_space<vmem>>
    %dma_wait3A_146 = tpu.memref_slice %arg5[%add3A_128] : memref<331776xf32, #tpu.memory_space<hbm>> -> memref<128xf32, #tpu.memory_space<hbm>>
    tpu.wait_dma2 semaphore(%arg21 : memref<!tpu.dma_semaphore, #tpu.memory_space<semaphore_mem>>) src(%dma_wait3A_146 : memref<128xf32, #tpu.memory_space<hbm>>) dst(%dma_wait3A_145 : memref<128xf32, #tpu.memory_space<vmem>>)
    %dma_start3A_147 = arith.constant 0 : i32
    %dma_start3A_148 = arith.constant 0 : i32
    %dma_start3A_149 = tpu.memref_slice %arg7[%dma_start3A_147, %dma_start3A_148] : memref<3x128xi32, #tpu.memory_space<vmem>> -> memref<1x128xi32, #tpu.memory_space<vmem>>
    %dma_start3A_150 = tpu.memref_squeeze %dma_start3A_149 : memref<1x128xi32, #tpu.memory_space<vmem>> -> memref<128xi32, #tpu.memory_space<vmem>>
    %dma_start3A_151 = arith.constant 0 : i32
    %dma_start3A_152 = arith.constant 0 : i32
    %dma_start3A_153 = tpu.memref_slice %arg2[%dma_start3A_151, %dma_start3A_152] : memref<10000x128xf32, #tpu.memory_space<hbm>> -> memref<10000x128xf32, #tpu.memory_space<hbm>>
    tpu.enqueue_indirect_dma source(%dma_start3A_153 : memref<10000x128xf32, #tpu.memory_space<hbm>>) target(%arg10 : memref<128x128xf32, #tpu.memory_space<vmem>>) offsets(%dma_start3A_150 : memref<128xi32, #tpu.memory_space<vmem>>) semaphore(%arg14 : memref<!tpu.dma_semaphore, #tpu.memory_space<semaphore_mem>>)
    %dma_start3A_154 = arith.constant 1 : i32
    %dma_start3A_155 = arith.constant 0 : i32
    %dma_start3A_156 = tpu.memref_slice %arg7[%dma_start3A_154, %dma_start3A_155] : memref<3x128xi32, #tpu.memory_space<vmem>> -> memref<1x128xi32, #tpu.memory_space<vmem>>
    %dma_start3A_157 = tpu.memref_squeeze %dma_start3A_156 : memref<1x128xi32, #tpu.memory_space<vmem>> -> memref<128xi32, #tpu.memory_space<vmem>>
    %dma_start3A_158 = arith.constant 0 : i32
    %dma_start3A_159 = arith.constant 0 : i32
    %dma_start3A_160 = tpu.memref_slice %arg2[%dma_start3A_158, %dma_start3A_159] : memref<10000x128xf32, #tpu.memory_space<hbm>> -> memref<10000x128xf32, #tpu.memory_space<hbm>>
    tpu.enqueue_indirect_dma source(%dma_start3A_160 : memref<10000x128xf32, #tpu.memory_space<hbm>>) target(%arg11 : memref<128x128xf32, #tpu.memory_space<vmem>>) offsets(%dma_start3A_157 : memref<128xi32, #tpu.memory_space<vmem>>) semaphore(%arg15 : memref<!tpu.dma_semaphore, #tpu.memory_space<semaphore_mem>>)
    %broadcast_in_dim3A_161 = arith.constant 0 : i32
    %broadcast_in_dim3A_162 = vector.broadcast %broadcast_in_dim3A_161 : i32 to vector<16xi32>
    %scan3A_163 = arith.constant 0 : i32
    %scan3A_164 = arith.constant 0 : i32
    %scan3A_165 = arith.constant 27 : i32
    %scan3A_166 = arith.addi %scan3A_164, %scan3A_165 : i32
    %scan3A_167 = arith.constant 1 : i32
    scf.for %scan3A_187 = %scan3A_164 to %scan3A_166 step %scan3A_167  : i32 {
      %mul3A_188 = arith.constant 3 : i32
      %mul3A_189 = arith.muli %mul3A_188, %scan3A_187 : i32
      %add3A_190 = arith.constant 0 : i32
      %add3A_191 = arith.addi %mul3A_189, %add3A_190 : i32
      %dma_wait3A_192 = arith.constant 0 : i32
      %dma_wait3A_193 = arith.constant 0 : i32
      %dma_wait3A_194 = tpu.memref_slice %arg7[%dma_wait3A_192, %dma_wait3A_193] : memref<3x128xi32, #tpu.memory_space<vmem>> -> memref<1x128xi32, #tpu.memory_space<vmem>>
      %dma_wait3A_195 = tpu.memref_squeeze %dma_wait3A_194 : memref<1x128xi32, #tpu.memory_space<vmem>> -> memref<128xi32, #tpu.memory_space<vmem>>
      %dma_wait3A_196 = arith.constant 0 : i32
      %dma_wait3A_197 = arith.constant 0 : i32
      %dma_wait3A_198 = tpu.memref_slice %arg2[%dma_wait3A_196, %dma_wait3A_197] : memref<10000x128xf32, #tpu.memory_space<hbm>> -> memref<10000x128xf32, #tpu.memory_space<hbm>>
      tpu.wait_indirect_dma semaphore(%arg14 : memref<!tpu.dma_semaphore, #tpu.memory_space<semaphore_mem>>) src(%dma_wait3A_198 : memref<10000x128xf32, #tpu.memory_space<hbm>>) dst(%arg10 : memref<128x128xf32, #tpu.memory_space<vmem>>)
      %add3A_199 = arith.constant 0 : i32
      %add3A_200 = vector.broadcast %add3A_199 : i32 to vector<16xi32>
      %add3A_201 = arith.addi %broadcast_in_dim3A_162, %add3A_200 : vector<16xi32>
      %parallel_loop3A = arith.constant 0 : i32
      %parallel_loop3A_202 = arith.constant 128 : i32
      %parallel_loop3A_203 = arith.constant 1 : i32
      scf.for %parallel_loop3A_357 = %parallel_loop3A to %parallel_loop3A_202 step %parallel_loop3A_203  : i32 {
        %parallel_loop3A_358 = vector.broadcast %parallel_loop3A_357 : i32 to vector<16xi32>
        %parallel_loop3A_359 = arith.addi %broadcast_in_dim3A_162, %parallel_loop3A_358 : vector<16xi32>
        %parallel_loop3A_360 = tpu.vector_load_idx %arg9[%add3A_201, %parallel_loop3A_359] : memref<3x128xf32, #tpu.memory_space<vmem>>[vector<16xi32>, vector<16xi32>], vector<16xf32>,
        %parallel_loop3A_361 = arith.index_cast %parallel_loop3A_357 : i32 to index
        %parallel_loop3A_362 = arith.constant 0 : index
        %parallel_loop3A_363 = tpu.vector_load %arg10[%parallel_loop3A_361, %parallel_loop3A_362] {strides = array<i32>} : memref<128x128xf32, #tpu.memory_space<vmem>>, vector<16xf32>,
        %parallel_loop3A_364 = arith.mulf %parallel_loop3A_363, %parallel_loop3A_360 : vector<16xf32>
        %parallel_loop3A_365 = arith.index_cast %parallel_loop3A_357 : i32 to index
        %parallel_loop3A_366 = arith.constant 0 : index
        %parallel_loop3A_367 = tpu.vector_load %arg10[%parallel_loop3A_365, %parallel_loop3A_366] {strides = array<i32>} : memref<128x128xf32, #tpu.memory_space<vmem>>, vector<16xf32>,
        tpu.vector_store %arg10[%parallel_loop3A_365, %parallel_loop3A_366], %parallel_loop3A_364 {strides = array<i32>} : memref<128x128xf32, #tpu.memory_space<vmem>>, vector<16xf32>,
        %parallel_loop3A_368 = arith.index_cast %parallel_loop3A_357 : i32 to index
        %parallel_loop3A_369 = arith.constant 16 : index
        %parallel_loop3A_370 = tpu.vector_load %arg10[%parallel_loop3A_368, %parallel_loop3A_369] {strides = array<i32>} : memref<128x128xf32, #tpu.memory_space<vmem>>, vector<16xf32>,
        %parallel_loop3A_371 = arith.mulf %parallel_loop3A_370, %parallel_loop3A_360 : vector<16xf32>
        %parallel_loop3A_372 = arith.index_cast %parallel_loop3A_357 : i32 to index
        %parallel_loop3A_373 = arith.constant 16 : index
        %parallel_loop3A_374 = tpu.vector_load %arg10[%parallel_loop3A_372, %parallel_loop3A_373] {strides = array<i32>} : memref<128x128xf32, #tpu.memory_space<vmem>>, vector<16xf32>,
        tpu.vector_store %arg10[%parallel_loop3A_372, %parallel_loop3A_373], %parallel_loop3A_371 {strides = array<i32>} : memref<128x128xf32, #tpu.memory_space<vmem>>, vector<16xf32>,
        %parallel_loop3A_375 = arith.index_cast %parallel_loop3A_357 : i32 to index
        %parallel_loop3A_376 = arith.constant 32 : index
        %parallel_loop3A_377 = tpu.vector_load %arg10[%parallel_loop3A_375, %parallel_loop3A_376] {strides = array<i32>} : memref<128x128xf32, #tpu.memory_space<vmem>>, vector<16xf32>,
        %parallel_loop3A_378 = arith.mulf %parallel_loop3A_377, %parallel_loop3A_360 : vector<16xf32>
        %parallel_loop3A_379 = arith.index_cast %parallel_loop3A_357 : i32 to index
        %parallel_loop3A_380 = arith.constant 32 : index
        %parallel_loop3A_381 = tpu.vector_load %arg10[%parallel_loop3A_379, %parallel_loop3A_380] {strides = array<i32>} : memref<128x128xf32, #tpu.memory_space<vmem>>, vector<16xf32>,
        tpu.vector_store %arg10[%parallel_loop3A_379, %parallel_loop3A_380], %parallel_loop3A_378 {strides = array<i32>} : memref<128x128xf32, #tpu.memory_space<vmem>>, vector<16xf32>,
        %parallel_loop3A_382 = arith.index_cast %parallel_loop3A_357 : i32 to index
        %parallel_loop3A_383 = arith.constant 48 : index
        %parallel_loop3A_384 = tpu.vector_load %arg10[%parallel_loop3A_382, %parallel_loop3A_383] {strides = array<i32>} : memref<128x128xf32, #tpu.memory_space<vmem>>, vector<16xf32>,
        %parallel_loop3A_385 = arith.mulf %parallel_loop3A_384, %parallel_loop3A_360 : vector<16xf32>
        %parallel_loop3A_386 = arith.index_cast %parallel_loop3A_357 : i32 to index
        %parallel_loop3A_387 = arith.constant 48 : index
        %parallel_loop3A_388 = tpu.vector_load %arg10[%parallel_loop3A_386, %parallel_loop3A_387] {strides = array<i32>} : memref<128x128xf32, #tpu.memory_space<vmem>>, vector<16xf32>,
        tpu.vector_store %arg10[%parallel_loop3A_386, %parallel_loop3A_387], %parallel_loop3A_385 {strides = array<i32>} : memref<128x128xf32, #tpu.memory_space<vmem>>, vector<16xf32>,
        %parallel_loop3A_389 = arith.index_cast %parallel_loop3A_357 : i32 to index
        %parallel_loop3A_390 = arith.constant 64 : index
        %parallel_loop3A_391 = tpu.vector_load %arg10[%parallel_loop3A_389, %parallel_loop3A_390] {strides = array<i32>} : memref<128x128xf32, #tpu.memory_space<vmem>>, vector<16xf32>,
        %parallel_loop3A_392 = arith.mulf %parallel_loop3A_391, %parallel_loop3A_360 : vector<16xf32>
        %parallel_loop3A_393 = arith.index_cast %parallel_loop3A_357 : i32 to index
        %parallel_loop3A_394 = arith.constant 64 : index
        %parallel_loop3A_395 = tpu.vector_load %arg10[%parallel_loop3A_393, %parallel_loop3A_394] {strides = array<i32>} : memref<128x128xf32, #tpu.memory_space<vmem>>, vector<16xf32>,
        tpu.vector_store %arg10[%parallel_loop3A_393, %parallel_loop3A_394], %parallel_loop3A_392 {strides = array<i32>} : memref<128x128xf32, #tpu.memory_space<vmem>>, vector<16xf32>,
        %parallel_loop3A_396 = arith.index_cast %parallel_loop3A_357 : i32 to index
        %parallel_loop3A_397 = arith.constant 80 : index
        %parallel_loop3A_398 = tpu.vector_load %arg10[%parallel_loop3A_396, %parallel_loop3A_397] {strides = array<i32>} : memref<128x128xf32, #tpu.memory_space<vmem>>, vector<16xf32>,
        %parallel_loop3A_399 = arith.mulf %parallel_loop3A_398, %parallel_loop3A_360 : vector<16xf32>
        %parallel_loop3A_400 = arith.index_cast %parallel_loop3A_357 : i32 to index
        %parallel_loop3A_401 = arith.constant 80 : index
        %parallel_loop3A_402 = tpu.vector_load %arg10[%parallel_loop3A_400, %parallel_loop3A_401] {strides = array<i32>} : memref<128x128xf32, #tpu.memory_space<vmem>>, vector<16xf32>,
        tpu.vector_store %arg10[%parallel_loop3A_400, %parallel_loop3A_401], %parallel_loop3A_399 {strides = array<i32>} : memref<128x128xf32, #tpu.memory_space<vmem>>, vector<16xf32>,
        %parallel_loop3A_403 = arith.index_cast %parallel_loop3A_357 : i32 to index
        %parallel_loop3A_404 = arith.constant 96 : index
        %parallel_loop3A_405 = tpu.vector_load %arg10[%parallel_loop3A_403, %parallel_loop3A_404] {strides = array<i32>} : memref<128x128xf32, #tpu.memory_space<vmem>>, vector<16xf32>,
        %parallel_loop3A_406 = arith.mulf %parallel_loop3A_405, %parallel_loop3A_360 : vector<16xf32>
        %parallel_loop3A_407 = arith.index_cast %parallel_loop3A_357 : i32 to index
        %parallel_loop3A_408 = arith.constant 96 : index
        %parallel_loop3A_409 = tpu.vector_load %arg10[%parallel_loop3A_407, %parallel_loop3A_408] {strides = array<i32>} : memref<128x128xf32, #tpu.memory_space<vmem>>, vector<16xf32>,
        tpu.vector_store %arg10[%parallel_loop3A_407, %parallel_loop3A_408], %parallel_loop3A_406 {strides = array<i32>} : memref<128x128xf32, #tpu.memory_space<vmem>>, vector<16xf32>,
        %parallel_loop3A_410 = arith.index_cast %parallel_loop3A_357 : i32 to index
        %parallel_loop3A_411 = arith.constant 112 : index
        %parallel_loop3A_412 = tpu.vector_load %arg10[%parallel_loop3A_410, %parallel_loop3A_411] {strides = array<i32>} : memref<128x128xf32, #tpu.memory_space<vmem>>, vector<16xf32>,
        %parallel_loop3A_413 = arith.mulf %parallel_loop3A_412, %parallel_loop3A_360 : vector<16xf32>
        %parallel_loop3A_414 = arith.index_cast %parallel_loop3A_357 : i32 to index
        %parallel_loop3A_415 = arith.constant 112 : index
        %parallel_loop3A_416 = tpu.vector_load %arg10[%parallel_loop3A_414, %parallel_loop3A_415] {strides = array<i32>} : memref<128x128xf32, #tpu.memory_space<vmem>>, vector<16xf32>,
        tpu.vector_store %arg10[%parallel_loop3A_414, %parallel_loop3A_415], %parallel_loop3A_413 {strides = array<i32>} : memref<128x128xf32, #tpu.memory_space<vmem>>, vector<16xf32>,
      } {sc.loop_unroll_factor = 4 : i64, sc.parallel_access}
      %gt3A = arith.constant 0 : i32
      %gt3A_204 = arith.cmpi sgt, %add3A_191, %gt3A : i32
      %convert_element_type3A_205 = arith.extui %gt3A_204 : i1 to i32
      %cond3A_206 = arith.constant 0 : i32
      %cond3A_207 = arith.cmpi ne, %convert_element_type3A_205, %cond3A_206 : i32
      scf.if %cond3A_207 {
        %dma_wait3A_357 = arith.constant 2 : i32
        %dma_wait3A_358 = arith.constant 0 : i32
        %dma_wait3A_359 = tpu.memref_slice %arg8[%dma_wait3A_357, %dma_wait3A_358] : memref<3x128xi32, #tpu.memory_space<vmem>> -> memref<1x128xi32, #tpu.memory_space<vmem>>
        %dma_wait3A_360 = tpu.memref_squeeze %dma_wait3A_359 : memref<1x128xi32, #tpu.memory_space<vmem>> -> memref<128xi32, #tpu.memory_space<vmem>>
        %dma_wait3A_361 = arith.constant 0 : i32
        %dma_wait3A_362 = arith.constant 0 : i32
        %dma_wait3A_363 = tpu.memref_slice %arg13[%dma_wait3A_361, %dma_wait3A_362] : memref<10000x128xf32, #tpu.memory_space<vmem_shared>> -> memref<10000x128xf32, #tpu.memory_space<vmem_shared>>
        tpu.wait_indirect_dma semaphore(%arg19 : memref<!tpu.dma_semaphore, #tpu.memory_space<semaphore_mem>>) src(%arg12 : memref<128x128xf32, #tpu.memory_space<vmem>>) dst(%dma_wait3A_363 : memref<10000x128xf32, #tpu.memory_space<vmem_shared>>)
      } else {
      }
      %mul3A_208 = arith.constant 10368 : i32
      %mul3A_209 = arith.muli %add3A, %mul3A_208 : i32
      %mul3A_210 = arith.constant 128 : i32
      %mul3A_211 = arith.muli %add3A_191, %mul3A_210 : i32
      %add3A_212 = arith.addi %mul3A_209, %mul3A_211 : i32
      %dma_wait3A_213 = arith.constant 0 : i32
      %dma_wait3A_214 = arith.constant 0 : i32
      %dma_wait3A_215 = tpu.memref_slice %arg8[%dma_wait3A_213, %dma_wait3A_214] : memref<3x128xi32, #tpu.memory_space<vmem>> -> memref<1x128xi32, #tpu.memory_space<vmem>>
      %dma_wait3A_216 = tpu.memref_squeeze %dma_wait3A_215 : memref<1x128xi32, #tpu.memory_space<vmem>> -> memref<128xi32, #tpu.memory_space<vmem>>
      %dma_wait3A_217 = tpu.memref_slice %arg4[%add3A_212] : memref<331776xi32, #tpu.memory_space<hbm>> -> memref<128xi32, #tpu.memory_space<hbm>>
      %dma_wait3A_218 = arith.constant 0 : i32
      %dma_wait3A_219 = tpu.memref_slice %arg8[%dma_wait3A_213, %dma_wait3A_218] : memref<3x128xi32, #tpu.memory_space<vmem>> -> memref<1x128xi32, #tpu.memory_space<vmem>>
      %dma_wait3A_220 = tpu.memref_squeeze %dma_wait3A_219 : memref<1x128xi32, #tpu.memory_space<vmem>> -> memref<128xi32, #tpu.memory_space<vmem>>
      %dma_wait3A_221 = tpu.memref_slice %arg4[%add3A_212] : memref<331776xi32, #tpu.memory_space<hbm>> -> memref<128xi32, #tpu.memory_space<hbm>>
      tpu.wait_dma2 semaphore(%arg23 : memref<!tpu.dma_semaphore, #tpu.memory_space<semaphore_mem>>) src(%dma_wait3A_221 : memref<128xi32, #tpu.memory_space<hbm>>) dst(%dma_wait3A_220 : memref<128xi32, #tpu.memory_space<vmem>>)
      %dma_start3A_222 = arith.constant 0 : i32
      %dma_start3A_223 = arith.constant 0 : i32
      %dma_start3A_224 = tpu.memref_slice %arg8[%dma_start3A_222, %dma_start3A_223] : memref<3x128xi32, #tpu.memory_space<vmem>> -> memref<1x128xi32, #tpu.memory_space<vmem>>
      %dma_start3A_225 = tpu.memref_squeeze %dma_start3A_224 : memref<1x128xi32, #tpu.memory_space<vmem>> -> memref<128xi32, #tpu.memory_space<vmem>>
      %dma_start3A_226 = arith.constant 0 : i32
      %dma_start3A_227 = arith.constant 0 : i32
      %dma_start3A_228 = tpu.memref_slice %arg13[%dma_start3A_226, %dma_start3A_227] : memref<10000x128xf32, #tpu.memory_space<vmem_shared>> -> memref<10000x128xf32, #tpu.memory_space<vmem_shared>>
      tpu.enqueue_indirect_dma source(%arg10 : memref<128x128xf32, #tpu.memory_space<vmem>>) target(%dma_start3A_228 : memref<10000x128xf32, #tpu.memory_space<vmem_shared>>) offsets(%dma_start3A_225 : memref<128xi32, #tpu.memory_space<vmem>>) semaphore(%arg17 : memref<!tpu.dma_semaphore, #tpu.memory_space<semaphore_mem>>) {add = true}
      %add3A_229 = arith.constant 2 : i32
      %add3A_230 = arith.addi %add3A_191, %add3A_229 : i32
      %lt3A_231 = arith.constant 81 : i32
      %lt3A_232 = arith.cmpi slt, %add3A_230, %lt3A_231 : i32
      %convert_element_type3A_233 = arith.extui %lt3A_232 : i1 to i32
      %cond3A_234 = arith.constant 0 : i32
      %cond3A_235 = arith.cmpi ne, %convert_element_type3A_233, %cond3A_234 : i32
      scf.if %cond3A_235 {
        %add3A_357 = arith.constant 2 : i32
        %add3A_358 = arith.addi %add3A_191, %add3A_357 : i32
        %mul3A_359 = arith.constant 10368 : i32
        %mul3A_360 = arith.muli %add3A, %mul3A_359 : i32
        %mul3A_361 = arith.constant 128 : i32
        %mul3A_362 = arith.muli %add3A_358, %mul3A_361 : i32
        %add3A_363 = arith.addi %mul3A_360, %mul3A_362 : i32
        %dma_start3A_364 = arith.constant 2 : i32
        %dma_start3A_365 = arith.constant 0 : i32
        %dma_start3A_366 = tpu.memref_slice %arg8[%dma_start3A_364, %dma_start3A_365] : memref<3x128xi32, #tpu.memory_space<vmem>> -> memref<1x128xi32, #tpu.memory_space<vmem>>
        %dma_start3A_367 = tpu.memref_squeeze %dma_start3A_366 : memref<1x128xi32, #tpu.memory_space<vmem>> -> memref<128xi32, #tpu.memory_space<vmem>>
        %dma_start3A_368 = tpu.memref_slice %arg4[%add3A_363] : memref<331776xi32, #tpu.memory_space<hbm>> -> memref<128xi32, #tpu.memory_space<hbm>>
        %dma_start3A_369 = arith.constant 0 : i32
        %dma_start3A_370 = tpu.memref_slice %arg8[%dma_start3A_364, %dma_start3A_369] : memref<3x128xi32, #tpu.memory_space<vmem>> -> memref<1x128xi32, #tpu.memory_space<vmem>>
        %dma_start3A_371 = tpu.memref_squeeze %dma_start3A_370 : memref<1x128xi32, #tpu.memory_space<vmem>> -> memref<128xi32, #tpu.memory_space<vmem>>
        %dma_start3A_372 = tpu.memref_slice %arg4[%add3A_363] : memref<331776xi32, #tpu.memory_space<hbm>> -> memref<128xi32, #tpu.memory_space<hbm>>
        tpu.enqueue_dma source(%dma_start3A_372 : memref<128xi32, #tpu.memory_space<hbm>>) target(%dma_start3A_371 : memref<128xi32, #tpu.memory_space<vmem>>) target_semaphore(%arg25 : memref<!tpu.dma_semaphore, #tpu.memory_space<semaphore_mem>>)
        %add3A_373 = arith.constant 2 : i32
        %add3A_374 = arith.addi %add3A_191, %add3A_373 : i32
        %mul3A_375 = arith.constant 10368 : i32
        %mul3A_376 = arith.muli %add3A, %mul3A_375 : i32
        %mul3A_377 = arith.constant 128 : i32
        %mul3A_378 = arith.muli %add3A_374, %mul3A_377 : i32
        %add3A_379 = arith.addi %mul3A_376, %mul3A_378 : i32
        %dma_wait3A_380 = arith.constant 2 : i32
        %dma_wait3A_381 = arith.constant 0 : i32
        %dma_wait3A_382 = tpu.memref_slice %arg7[%dma_wait3A_380, %dma_wait3A_381] : memref<3x128xi32, #tpu.memory_space<vmem>> -> memref<1x128xi32, #tpu.memory_space<vmem>>
        %dma_wait3A_383 = tpu.memref_squeeze %dma_wait3A_382 : memref<1x128xi32, #tpu.memory_space<vmem>> -> memref<128xi32, #tpu.memory_space<vmem>>
        %dma_wait3A_384 = tpu.memref_slice %arg3[%add3A_379] : memref<331776xi32, #tpu.memory_space<hbm>> -> memref<128xi32, #tpu.memory_space<hbm>>
        %dma_wait3A_385 = arith.constant 0 : i32
        %dma_wait3A_386 = tpu.memref_slice %arg7[%dma_wait3A_380, %dma_wait3A_385] : memref<3x128xi32, #tpu.memory_space<vmem>> -> memref<1x128xi32, #tpu.memory_space<vmem>>
        %dma_wait3A_387 = tpu.memref_squeeze %dma_wait3A_386 : memref<1x128xi32, #tpu.memory_space<vmem>> -> memref<128xi32, #tpu.memory_space<vmem>>
        %dma_wait3A_388 = tpu.memref_slice %arg3[%add3A_379] : memref<331776xi32, #tpu.memory_space<hbm>> -> memref<128xi32, #tpu.memory_space<hbm>>
        tpu.wait_dma2 semaphore(%arg22 : memref<!tpu.dma_semaphore, #tpu.memory_space<semaphore_mem>>) src(%dma_wait3A_388 : memref<128xi32, #tpu.memory_space<hbm>>) dst(%dma_wait3A_387 : memref<128xi32, #tpu.memory_space<vmem>>)
        %dma_wait3A_389 = arith.constant 2 : i32
        %dma_wait3A_390 = arith.constant 0 : i32
        %dma_wait3A_391 = tpu.memref_slice %arg9[%dma_wait3A_389, %dma_wait3A_390] : memref<3x128xf32, #tpu.memory_space<vmem>> -> memref<1x128xf32, #tpu.memory_space<vmem>>
        %dma_wait3A_392 = tpu.memref_squeeze %dma_wait3A_391 : memref<1x128xf32, #tpu.memory_space<vmem>> -> memref<128xf32, #tpu.memory_space<vmem>>
        %dma_wait3A_393 = tpu.memref_slice %arg5[%add3A_379] : memref<331776xf32, #tpu.memory_space<hbm>> -> memref<128xf32, #tpu.memory_space<hbm>>
        %dma_wait3A_394 = arith.constant 0 : i32
        %dma_wait3A_395 = tpu.memref_slice %arg9[%dma_wait3A_389, %dma_wait3A_394] : memref<3x128xf32, #tpu.memory_space<vmem>> -> memref<1x128xf32, #tpu.memory_space<vmem>>
        %dma_wait3A_396 = tpu.memref_squeeze %dma_wait3A_395 : memref<1x128xf32, #tpu.memory_space<vmem>> -> memref<128xf32, #tpu.memory_space<vmem>>
        %dma_wait3A_397 = tpu.memref_slice %arg5[%add3A_379] : memref<331776xf32, #tpu.memory_space<hbm>> -> memref<128xf32, #tpu.memory_space<hbm>>
        tpu.wait_dma2 semaphore(%arg22 : memref<!tpu.dma_semaphore, #tpu.memory_space<semaphore_mem>>) src(%dma_wait3A_397 : memref<128xf32, #tpu.memory_space<hbm>>) dst(%dma_wait3A_396 : memref<128xf32, #tpu.memory_space<vmem>>)
        %dma_start3A_398 = arith.constant 2 : i32
        %dma_start3A_399 = arith.constant 0 : i32
        %dma_start3A_400 = tpu.memref_slice %arg7[%dma_start3A_398, %dma_start3A_399] : memref<3x128xi32, #tpu.memory_space<vmem>> -> memref<1x128xi32, #tpu.memory_space<vmem>>
        %dma_start3A_401 = tpu.memref_squeeze %dma_start3A_400 : memref<1x128xi32, #tpu.memory_space<vmem>> -> memref<128xi32, #tpu.memory_space<vmem>>
        %dma_start3A_402 = arith.constant 0 : i32
        %dma_start3A_403 = arith.constant 0 : i32
        %dma_start3A_404 = tpu.memref_slice %arg2[%dma_start3A_402, %dma_start3A_403] : memref<10000x128xf32, #tpu.memory_space<hbm>> -> memref<10000x128xf32, #tpu.memory_space<hbm>>
        tpu.enqueue_indirect_dma source(%dma_start3A_404 : memref<10000x128xf32, #tpu.memory_space<hbm>>) target(%arg12 : memref<128x128xf32, #tpu.memory_space<vmem>>) offsets(%dma_start3A_401 : memref<128xi32, #tpu.memory_space<vmem>>) semaphore(%arg16 : memref<!tpu.dma_semaphore, #tpu.memory_space<semaphore_mem>>)
      } else {
      }
      %add3A_236 = arith.constant 3 : i32
      %add3A_237 = arith.addi %add3A_191, %add3A_236 : i32
      %lt3A_238 = arith.constant 81 : i32
      %lt3A_239 = arith.cmpi slt, %add3A_237, %lt3A_238 : i32
      %convert_element_type3A_240 = arith.extui %lt3A_239 : i1 to i32
      %cond3A_241 = arith.constant 0 : i32
      %cond3A_242 = arith.cmpi ne, %convert_element_type3A_240, %cond3A_241 : i32
      scf.if %cond3A_242 {
        %add3A_357 = arith.constant 3 : i32
        %add3A_358 = arith.addi %add3A_191, %add3A_357 : i32
        %mul3A_359 = arith.constant 10368 : i32
        %mul3A_360 = arith.muli %add3A, %mul3A_359 : i32
        %mul3A_361 = arith.constant 128 : i32
        %mul3A_362 = arith.muli %add3A_358, %mul3A_361 : i32
        %add3A_363 = arith.addi %mul3A_360, %mul3A_362 : i32
        %dma_start3A_364 = arith.constant 0 : i32
        %dma_start3A_365 = arith.constant 0 : i32
        %dma_start3A_366 = tpu.memref_slice %arg7[%dma_start3A_364, %dma_start3A_365] : memref<3x128xi32, #tpu.memory_space<vmem>> -> memref<1x128xi32, #tpu.memory_space<vmem>>
        %dma_start3A_367 = tpu.memref_squeeze %dma_start3A_366 : memref<1x128xi32, #tpu.memory_space<vmem>> -> memref<128xi32, #tpu.memory_space<vmem>>
        %dma_start3A_368 = tpu.memref_slice %arg3[%add3A_363] : memref<331776xi32, #tpu.memory_space<hbm>> -> memref<128xi32, #tpu.memory_space<hbm>>
        %dma_start3A_369 = arith.constant 0 : i32
        %dma_start3A_370 = tpu.memref_slice %arg7[%dma_start3A_364, %dma_start3A_369] : memref<3x128xi32, #tpu.memory_space<vmem>> -> memref<1x128xi32, #tpu.memory_space<vmem>>
        %dma_start3A_371 = tpu.memref_squeeze %dma_start3A_370 : memref<1x128xi32, #tpu.memory_space<vmem>> -> memref<128xi32, #tpu.memory_space<vmem>>
        %dma_start3A_372 = tpu.memref_slice %arg3[%add3A_363] : memref<331776xi32, #tpu.memory_space<hbm>> -> memref<128xi32, #tpu.memory_space<hbm>>
        tpu.enqueue_dma source(%dma_start3A_372 : memref<128xi32, #tpu.memory_space<hbm>>) target(%dma_start3A_371 : memref<128xi32, #tpu.memory_space<vmem>>) target_semaphore(%arg20 : memref<!tpu.dma_semaphore, #tpu.memory_space<semaphore_mem>>)
        %dma_start3A_373 = arith.constant 0 : i32
        %dma_start3A_374 = arith.constant 0 : i32
        %dma_start3A_375 = tpu.memref_slice %arg9[%dma_start3A_373, %dma_start3A_374] : memref<3x128xf32, #tpu.memory_space<vmem>> -> memref<1x128xf32, #tpu.memory_space<vmem>>
        %dma_start3A_376 = tpu.memref_squeeze %dma_start3A_375 : memref<1x128xf32, #tpu.memory_space<vmem>> -> memref<128xf32, #tpu.memory_space<vmem>>
        %dma_start3A_377 = tpu.memref_slice %arg5[%add3A_363] : memref<331776xf32, #tpu.memory_space<hbm>> -> memref<128xf32, #tpu.memory_space<hbm>>
        %dma_start3A_378 = arith.constant 0 : i32
        %dma_start3A_379 = tpu.memref_slice %arg9[%dma_start3A_373, %dma_start3A_378] : memref<3x128xf32, #tpu.memory_space<vmem>> -> memref<1x128xf32, #tpu.memory_space<vmem>>
        %dma_start3A_380 = tpu.memref_squeeze %dma_start3A_379 : memref<1x128xf32, #tpu.memory_space<vmem>> -> memref<128xf32, #tpu.memory_space<vmem>>
        %dma_start3A_381 = tpu.memref_slice %arg5[%add3A_363] : memref<331776xf32, #tpu.memory_space<hbm>> -> memref<128xf32, #tpu.memory_space<hbm>>
        tpu.enqueue_dma source(%dma_start3A_381 : memref<128xf32, #tpu.memory_space<hbm>>) target(%dma_start3A_380 : memref<128xf32, #tpu.memory_space<vmem>>) target_semaphore(%arg20 : memref<!tpu.dma_semaphore, #tpu.memory_space<semaphore_mem>>)
      } else {
      }
      %mul3A_243 = arith.constant 3 : i32
      %mul3A_244 = arith.muli %mul3A_243, %scan3A_187 : i32
      %add3A_245 = arith.constant 1 : i32
      %add3A_246 = arith.addi %mul3A_244, %add3A_245 : i32
      %dma_wait3A_247 = arith.constant 1 : i32
      %dma_wait3A_248 = arith.constant 0 : i32
      %dma_wait3A_249 = tpu.memref_slice %arg7[%dma_wait3A_247, %dma_wait3A_248] : memref<3x128xi32, #tpu.memory_space<vmem>> -> memref<1x128xi32, #tpu.memory_space<vmem>>
      %dma_wait3A_250 = tpu.memref_squeeze %dma_wait3A_249 : memref<1x128xi32, #tpu.memory_space<vmem>> -> memref<128xi32, #tpu.memory_space<vmem>>
      %dma_wait3A_251 = arith.constant 0 : i32
      %dma_wait3A_252 = arith.constant 0 : i32
      %dma_wait3A_253 = tpu.memref_slice %arg2[%dma_wait3A_251, %dma_wait3A_252] : memref<10000x128xf32, #tpu.memory_space<hbm>> -> memref<10000x128xf32, #tpu.memory_space<hbm>>
      tpu.wait_indirect_dma semaphore(%arg15 : memref<!tpu.dma_semaphore, #tpu.memory_space<semaphore_mem>>) src(%dma_wait3A_253 : memref<10000x128xf32, #tpu.memory_space<hbm>>) dst(%arg11 : memref<128x128xf32, #tpu.memory_space<vmem>>)
      %add3A_254 = arith.constant 1 : i32
      %add3A_255 = vector.broadcast %add3A_254 : i32 to vector<16xi32>
      %add3A_256 = arith.addi %broadcast_in_dim3A_162, %add3A_255 : vector<16xi32>
      %parallel_loop3A_257 = arith.constant 0 : i32
      %parallel_loop3A_258 = arith.constant 128 : i32
      %parallel_loop3A_259 = arith.constant 1 : i32
      scf.for %parallel_loop3A_357 = %parallel_loop3A_257 to %parallel_loop3A_258 step %parallel_loop3A_259  : i32 {
        %parallel_loop3A_358 = vector.broadcast %parallel_loop3A_357 : i32 to vector<16xi32>
        %parallel_loop3A_359 = arith.addi %broadcast_in_dim3A_162, %parallel_loop3A_358 : vector<16xi32>
        %parallel_loop3A_360 = tpu.vector_load_idx %arg9[%add3A_256, %parallel_loop3A_359] : memref<3x128xf32, #tpu.memory_space<vmem>>[vector<16xi32>, vector<16xi32>], vector<16xf32>,
        %parallel_loop3A_361 = arith.index_cast %parallel_loop3A_357 : i32 to index
        %parallel_loop3A_362 = arith.constant 0 : index
        %parallel_loop3A_363 = tpu.vector_load %arg11[%parallel_loop3A_361, %parallel_loop3A_362] {strides = array<i32>} : memref<128x128xf32, #tpu.memory_space<vmem>>, vector<16xf32>,
        %parallel_loop3A_364 = arith.mulf %parallel_loop3A_363, %parallel_loop3A_360 : vector<16xf32>
        %parallel_loop3A_365 = arith.index_cast %parallel_loop3A_357 : i32 to index
        %parallel_loop3A_366 = arith.constant 0 : index
        %parallel_loop3A_367 = tpu.vector_load %arg11[%parallel_loop3A_365, %parallel_loop3A_366] {strides = array<i32>} : memref<128x128xf32, #tpu.memory_space<vmem>>, vector<16xf32>,
        tpu.vector_store %arg11[%parallel_loop3A_365, %parallel_loop3A_366], %parallel_loop3A_364 {strides = array<i32>} : memref<128x128xf32, #tpu.memory_space<vmem>>, vector<16xf32>,
        %parallel_loop3A_368 = arith.index_cast %parallel_loop3A_357 : i32 to index
        %parallel_loop3A_369 = arith.constant 16 : index
        %parallel_loop3A_370 = tpu.vector_load %arg11[%parallel_loop3A_368, %parallel_loop3A_369] {strides = array<i32>} : memref<128x128xf32, #tpu.memory_space<vmem>>, vector<16xf32>,
        %parallel_loop3A_371 = arith.mulf %parallel_loop3A_370, %parallel_loop3A_360 : vector<16xf32>
        %parallel_loop3A_372 = arith.index_cast %parallel_loop3A_357 : i32 to index
        %parallel_loop3A_373 = arith.constant 16 : index
        %parallel_loop3A_374 = tpu.vector_load %arg11[%parallel_loop3A_372, %parallel_loop3A_373] {strides = array<i32>} : memref<128x128xf32, #tpu.memory_space<vmem>>, vector<16xf32>,
        tpu.vector_store %arg11[%parallel_loop3A_372, %parallel_loop3A_373], %parallel_loop3A_371 {strides = array<i32>} : memref<128x128xf32, #tpu.memory_space<vmem>>, vector<16xf32>,
        %parallel_loop3A_375 = arith.index_cast %parallel_loop3A_357 : i32 to index
        %parallel_loop3A_376 = arith.constant 32 : index
        %parallel_loop3A_377 = tpu.vector_load %arg11[%parallel_loop3A_375, %parallel_loop3A_376] {strides = array<i32>} : memref<128x128xf32, #tpu.memory_space<vmem>>, vector<16xf32>,
        %parallel_loop3A_378 = arith.mulf %parallel_loop3A_377, %parallel_loop3A_360 : vector<16xf32>
        %parallel_loop3A_379 = arith.index_cast %parallel_loop3A_357 : i32 to index
        %parallel_loop3A_380 = arith.constant 32 : index
        %parallel_loop3A_381 = tpu.vector_load %arg11[%parallel_loop3A_379, %parallel_loop3A_380] {strides = array<i32>} : memref<128x128xf32, #tpu.memory_space<vmem>>, vector<16xf32>,
        tpu.vector_store %arg11[%parallel_loop3A_379, %parallel_loop3A_380], %parallel_loop3A_378 {strides = array<i32>} : memref<128x128xf32, #tpu.memory_space<vmem>>, vector<16xf32>,
        %parallel_loop3A_382 = arith.index_cast %parallel_loop3A_357 : i32 to index
        %parallel_loop3A_383 = arith.constant 48 : index
        %parallel_loop3A_384 = tpu.vector_load %arg11[%parallel_loop3A_382, %parallel_loop3A_383] {strides = array<i32>} : memref<128x128xf32, #tpu.memory_space<vmem>>, vector<16xf32>,
        %parallel_loop3A_385 = arith.mulf %parallel_loop3A_384, %parallel_loop3A_360 : vector<16xf32>
        %parallel_loop3A_386 = arith.index_cast %parallel_loop3A_357 : i32 to index
        %parallel_loop3A_387 = arith.constant 48 : index
        %parallel_loop3A_388 = tpu.vector_load %arg11[%parallel_loop3A_386, %parallel_loop3A_387] {strides = array<i32>} : memref<128x128xf32, #tpu.memory_space<vmem>>, vector<16xf32>,
        tpu.vector_store %arg11[%parallel_loop3A_386, %parallel_loop3A_387], %parallel_loop3A_385 {strides = array<i32>} : memref<128x128xf32, #tpu.memory_space<vmem>>, vector<16xf32>,
        %parallel_loop3A_389 = arith.index_cast %parallel_loop3A_357 : i32 to index
        %parallel_loop3A_390 = arith.constant 64 : index
        %parallel_loop3A_391 = tpu.vector_load %arg11[%parallel_loop3A_389, %parallel_loop3A_390] {strides = array<i32>} : memref<128x128xf32, #tpu.memory_space<vmem>>, vector<16xf32>,
        %parallel_loop3A_392 = arith.mulf %parallel_loop3A_391, %parallel_loop3A_360 : vector<16xf32>
        %parallel_loop3A_393 = arith.index_cast %parallel_loop3A_357 : i32 to index
        %parallel_loop3A_394 = arith.constant 64 : index
        %parallel_loop3A_395 = tpu.vector_load %arg11[%parallel_loop3A_393, %parallel_loop3A_394] {strides = array<i32>} : memref<128x128xf32, #tpu.memory_space<vmem>>, vector<16xf32>,
        tpu.vector_store %arg11[%parallel_loop3A_393, %parallel_loop3A_394], %parallel_loop3A_392 {strides = array<i32>} : memref<128x128xf32, #tpu.memory_space<vmem>>, vector<16xf32>,
        %parallel_loop3A_396 = arith.index_cast %parallel_loop3A_357 : i32 to index
        %parallel_loop3A_397 = arith.constant 80 : index
        %parallel_loop3A_398 = tpu.vector_load %arg11[%parallel_loop3A_396, %parallel_loop3A_397] {strides = array<i32>} : memref<128x128xf32, #tpu.memory_space<vmem>>, vector<16xf32>,
        %parallel_loop3A_399 = arith.mulf %parallel_loop3A_398, %parallel_loop3A_360 : vector<16xf32>
        %parallel_loop3A_400 = arith.index_cast %parallel_loop3A_357 : i32 to index
        %parallel_loop3A_401 = arith.constant 80 : index
        %parallel_loop3A_402 = tpu.vector_load %arg11[%parallel_loop3A_400, %parallel_loop3A_401] {strides = array<i32>} : memref<128x128xf32, #tpu.memory_space<vmem>>, vector<16xf32>,
        tpu.vector_store %arg11[%parallel_loop3A_400, %parallel_loop3A_401], %parallel_loop3A_399 {strides = array<i32>} : memref<128x128xf32, #tpu.memory_space<vmem>>, vector<16xf32>,
        %parallel_loop3A_403 = arith.index_cast %parallel_loop3A_357 : i32 to index
        %parallel_loop3A_404 = arith.constant 96 : index
        %parallel_loop3A_405 = tpu.vector_load %arg11[%parallel_loop3A_403, %parallel_loop3A_404] {strides = array<i32>} : memref<128x128xf32, #tpu.memory_space<vmem>>, vector<16xf32>,
        %parallel_loop3A_406 = arith.mulf %parallel_loop3A_405, %parallel_loop3A_360 : vector<16xf32>
        %parallel_loop3A_407 = arith.index_cast %parallel_loop3A_357 : i32 to index
        %parallel_loop3A_408 = arith.constant 96 : index
        %parallel_loop3A_409 = tpu.vector_load %arg11[%parallel_loop3A_407, %parallel_loop3A_408] {strides = array<i32>} : memref<128x128xf32, #tpu.memory_space<vmem>>, vector<16xf32>,
        tpu.vector_store %arg11[%parallel_loop3A_407, %parallel_loop3A_408], %parallel_loop3A_406 {strides = array<i32>} : memref<128x128xf32, #tpu.memory_space<vmem>>, vector<16xf32>,
        %parallel_loop3A_410 = arith.index_cast %parallel_loop3A_357 : i32 to index
        %parallel_loop3A_411 = arith.constant 112 : index
        %parallel_loop3A_412 = tpu.vector_load %arg11[%parallel_loop3A_410, %parallel_loop3A_411] {strides = array<i32>} : memref<128x128xf32, #tpu.memory_space<vmem>>, vector<16xf32>,
        %parallel_loop3A_413 = arith.mulf %parallel_loop3A_412, %parallel_loop3A_360 : vector<16xf32>
        %parallel_loop3A_414 = arith.index_cast %parallel_loop3A_357 : i32 to index
        %parallel_loop3A_415 = arith.constant 112 : index
        %parallel_loop3A_416 = tpu.vector_load %arg11[%parallel_loop3A_414, %parallel_loop3A_415] {strides = array<i32>} : memref<128x128xf32, #tpu.memory_space<vmem>>, vector<16xf32>,
        tpu.vector_store %arg11[%parallel_loop3A_414, %parallel_loop3A_415], %parallel_loop3A_413 {strides = array<i32>} : memref<128x128xf32, #tpu.memory_space<vmem>>, vector<16xf32>,
      } {sc.loop_unroll_factor = 4 : i64, sc.parallel_access}
      %gt3A_260 = arith.constant 0 : i32
      %gt3A_261 = arith.cmpi sgt, %add3A_246, %gt3A_260 : i32
      %convert_element_type3A_262 = arith.extui %gt3A_261 : i1 to i32
      %cond3A_263 = arith.constant 0 : i32
      %cond3A_264 = arith.cmpi ne, %convert_element_type3A_262, %cond3A_263 : i32
      scf.if %cond3A_264 {
        %dma_wait3A_357 = arith.constant 0 : i32
        %dma_wait3A_358 = arith.constant 0 : i32
        %dma_wait3A_359 = tpu.memref_slice %arg8[%dma_wait3A_357, %dma_wait3A_358] : memref<3x128xi32, #tpu.memory_space<vmem>> -> memref<1x128xi32, #tpu.memory_space<vmem>>
        %dma_wait3A_360 = tpu.memref_squeeze %dma_wait3A_359 : memref<1x128xi32, #tpu.memory_space<vmem>> -> memref<128xi32, #tpu.memory_space<vmem>>
        %dma_wait3A_361 = arith.constant 0 : i32
        %dma_wait3A_362 = arith.constant 0 : i32
        %dma_wait3A_363 = tpu.memref_slice %arg13[%dma_wait3A_361, %dma_wait3A_362] : memref<10000x128xf32, #tpu.memory_space<vmem_shared>> -> memref<10000x128xf32, #tpu.memory_space<vmem_shared>>
        tpu.wait_indirect_dma semaphore(%arg17 : memref<!tpu.dma_semaphore, #tpu.memory_space<semaphore_mem>>) src(%arg10 : memref<128x128xf32, #tpu.memory_space<vmem>>) dst(%dma_wait3A_363 : memref<10000x128xf32, #tpu.memory_space<vmem_shared>>)
      } else {
      }
      %mul3A_265 = arith.constant 10368 : i32
      %mul3A_266 = arith.muli %add3A, %mul3A_265 : i32
      %mul3A_267 = arith.constant 128 : i32
      %mul3A_268 = arith.muli %add3A_246, %mul3A_267 : i32
      %add3A_269 = arith.addi %mul3A_266, %mul3A_268 : i32
      %dma_wait3A_270 = arith.constant 1 : i32
      %dma_wait3A_271 = arith.constant 0 : i32
      %dma_wait3A_272 = tpu.memref_slice %arg8[%dma_wait3A_270, %dma_wait3A_271] : memref<3x128xi32, #tpu.memory_space<vmem>> -> memref<1x128xi32, #tpu.memory_space<vmem>>
      %dma_wait3A_273 = tpu.memref_squeeze %dma_wait3A_272 : memref<1x128xi32, #tpu.memory_space<vmem>> -> memref<128xi32, #tpu.memory_space<vmem>>
      %dma_wait3A_274 = tpu.memref_slice %arg4[%add3A_269] : memref<331776xi32, #tpu.memory_space<hbm>> -> memref<128xi32, #tpu.memory_space<hbm>>
      %dma_wait3A_275 = arith.constant 0 : i32
      %dma_wait3A_276 = tpu.memref_slice %arg8[%dma_wait3A_270, %dma_wait3A_275] : memref<3x128xi32, #tpu.memory_space<vmem>> -> memref<1x128xi32, #tpu.memory_space<vmem>>
      %dma_wait3A_277 = tpu.memref_squeeze %dma_wait3A_276 : memref<1x128xi32, #tpu.memory_space<vmem>> -> memref<128xi32, #tpu.memory_space<vmem>>
      %dma_wait3A_278 = tpu.memref_slice %arg4[%add3A_269] : memref<331776xi32, #tpu.memory_space<hbm>> -> memref<128xi32, #tpu.memory_space<hbm>>
      tpu.wait_dma2 semaphore(%arg24 : memref<!tpu.dma_semaphore, #tpu.memory_space<semaphore_mem>>) src(%dma_wait3A_278 : memref<128xi32, #tpu.memory_space<hbm>>) dst(%dma_wait3A_277 : memref<128xi32, #tpu.memory_space<vmem>>)
      %dma_start3A_279 = arith.constant 1 : i32
      %dma_start3A_280 = arith.constant 0 : i32
      %dma_start3A_281 = tpu.memref_slice %arg8[%dma_start3A_279, %dma_start3A_280] : memref<3x128xi32, #tpu.memory_space<vmem>> -> memref<1x128xi32, #tpu.memory_space<vmem>>
      %dma_start3A_282 = tpu.memref_squeeze %dma_start3A_281 : memref<1x128xi32, #tpu.memory_space<vmem>> -> memref<128xi32, #tpu.memory_space<vmem>>
      %dma_start3A_283 = arith.constant 0 : i32
      %dma_start3A_284 = arith.constant 0 : i32
      %dma_start3A_285 = tpu.memref_slice %arg13[%dma_start3A_283, %dma_start3A_284] : memref<10000x128xf32, #tpu.memory_space<vmem_shared>> -> memref<10000x128xf32, #tpu.memory_space<vmem_shared>>
      tpu.enqueue_indirect_dma source(%arg11 : memref<128x128xf32, #tpu.memory_space<vmem>>) target(%dma_start3A_285 : memref<10000x128xf32, #tpu.memory_space<vmem_shared>>) offsets(%dma_start3A_282 : memref<128xi32, #tpu.memory_space<vmem>>) semaphore(%arg18 : memref<!tpu.dma_semaphore, #tpu.memory_space<semaphore_mem>>) {add = true}
      %add3A_286 = arith.constant 2 : i32
      %add3A_287 = arith.addi %add3A_246, %add3A_286 : i32
      %lt3A_288 = arith.constant 81 : i32
      %lt3A_289 = arith.cmpi slt, %add3A_287, %lt3A_288 : i32
      %convert_element_type3A_290 = arith.extui %lt3A_289 : i1 to i32
      %cond3A_291 = arith.constant 0 : i32
      %cond3A_292 = arith.cmpi ne, %convert_element_type3A_290, %cond3A_291 : i32
      scf.if %cond3A_292 {
        %add3A_357 = arith.constant 2 : i32
        %add3A_358 = arith.addi %add3A_246, %add3A_357 : i32
        %mul3A_359 = arith.constant 10368 : i32
        %mul3A_360 = arith.muli %add3A, %mul3A_359 : i32
        %mul3A_361 = arith.constant 128 : i32
        %mul3A_362 = arith.muli %add3A_358, %mul3A_361 : i32
        %add3A_363 = arith.addi %mul3A_360, %mul3A_362 : i32
        %dma_start3A_364 = arith.constant 0 : i32
        %dma_start3A_365 = arith.constant 0 : i32
        %dma_start3A_366 = tpu.memref_slice %arg8[%dma_start3A_364, %dma_start3A_365] : memref<3x128xi32, #tpu.memory_space<vmem>> -> memref<1x128xi32, #tpu.memory_space<vmem>>
        %dma_start3A_367 = tpu.memref_squeeze %dma_start3A_366 : memref<1x128xi32, #tpu.memory_space<vmem>> -> memref<128xi32, #tpu.memory_space<vmem>>
        %dma_start3A_368 = tpu.memref_slice %arg4[%add3A_363] : memref<331776xi32, #tpu.memory_space<hbm>> -> memref<128xi32, #tpu.memory_space<hbm>>
        %dma_start3A_369 = arith.constant 0 : i32
        %dma_start3A_370 = tpu.memref_slice %arg8[%dma_start3A_364, %dma_start3A_369] : memref<3x128xi32, #tpu.memory_space<vmem>> -> memref<1x128xi32, #tpu.memory_space<vmem>>
        %dma_start3A_371 = tpu.memref_squeeze %dma_start3A_370 : memref<1x128xi32, #tpu.memory_space<vmem>> -> memref<128xi32, #tpu.memory_space<vmem>>
        %dma_start3A_372 = tpu.memref_slice %arg4[%add3A_363] : memref<331776xi32, #tpu.memory_space<hbm>> -> memref<128xi32, #tpu.memory_space<hbm>>
        tpu.enqueue_dma source(%dma_start3A_372 : memref<128xi32, #tpu.memory_space<hbm>>) target(%dma_start3A_371 : memref<128xi32, #tpu.memory_space<vmem>>) target_semaphore(%arg23 : memref<!tpu.dma_semaphore, #tpu.memory_space<semaphore_mem>>)
        %add3A_373 = arith.constant 2 : i32
        %add3A_374 = arith.addi %add3A_246, %add3A_373 : i32
        %mul3A_375 = arith.constant 10368 : i32
        %mul3A_376 = arith.muli %add3A, %mul3A_375 : i32
        %mul3A_377 = arith.constant 128 : i32
        %mul3A_378 = arith.muli %add3A_374, %mul3A_377 : i32
        %add3A_379 = arith.addi %mul3A_376, %mul3A_378 : i32
        %dma_wait3A_380 = arith.constant 0 : i32
        %dma_wait3A_381 = arith.constant 0 : i32
        %dma_wait3A_382 = tpu.memref_slice %arg7[%dma_wait3A_380, %dma_wait3A_381] : memref<3x128xi32, #tpu.memory_space<vmem>> -> memref<1x128xi32, #tpu.memory_space<vmem>>
        %dma_wait3A_383 = tpu.memref_squeeze %dma_wait3A_382 : memref<1x128xi32, #tpu.memory_space<vmem>> -> memref<128xi32, #tpu.memory_space<vmem>>
        %dma_wait3A_384 = tpu.memref_slice %arg3[%add3A_379] : memref<331776xi32, #tpu.memory_space<hbm>> -> memref<128xi32, #tpu.memory_space<hbm>>
        %dma_wait3A_385 = arith.constant 0 : i32
        %dma_wait3A_386 = tpu.memref_slice %arg7[%dma_wait3A_380, %dma_wait3A_385] : memref<3x128xi32, #tpu.memory_space<vmem>> -> memref<1x128xi32, #tpu.memory_space<vmem>>
        %dma_wait3A_387 = tpu.memref_squeeze %dma_wait3A_386 : memref<1x128xi32, #tpu.memory_space<vmem>> -> memref<128xi32, #tpu.memory_space<vmem>>
        %dma_wait3A_388 = tpu.memref_slice %arg3[%add3A_379] : memref<331776xi32, #tpu.memory_space<hbm>> -> memref<128xi32, #tpu.memory_space<hbm>>
        tpu.wait_dma2 semaphore(%arg20 : memref<!tpu.dma_semaphore, #tpu.memory_space<semaphore_mem>>) src(%dma_wait3A_388 : memref<128xi32, #tpu.memory_space<hbm>>) dst(%dma_wait3A_387 : memref<128xi32, #tpu.memory_space<vmem>>)
        %dma_wait3A_389 = arith.constant 0 : i32
        %dma_wait3A_390 = arith.constant 0 : i32
        %dma_wait3A_391 = tpu.memref_slice %arg9[%dma_wait3A_389, %dma_wait3A_390] : memref<3x128xf32, #tpu.memory_space<vmem>> -> memref<1x128xf32, #tpu.memory_space<vmem>>
        %dma_wait3A_392 = tpu.memref_squeeze %dma_wait3A_391 : memref<1x128xf32, #tpu.memory_space<vmem>> -> memref<128xf32, #tpu.memory_space<vmem>>
        %dma_wait3A_393 = tpu.memref_slice %arg5[%add3A_379] : memref<331776xf32, #tpu.memory_space<hbm>> -> memref<128xf32, #tpu.memory_space<hbm>>
        %dma_wait3A_394 = arith.constant 0 : i32
        %dma_wait3A_395 = tpu.memref_slice %arg9[%dma_wait3A_389, %dma_wait3A_394] : memref<3x128xf32, #tpu.memory_space<vmem>> -> memref<1x128xf32, #tpu.memory_space<vmem>>
        %dma_wait3A_396 = tpu.memref_squeeze %dma_wait3A_395 : memref<1x128xf32, #tpu.memory_space<vmem>> -> memref<128xf32, #tpu.memory_space<vmem>>
        %dma_wait3A_397 = tpu.memref_slice %arg5[%add3A_379] : memref<331776xf32, #tpu.memory_space<hbm>> -> memref<128xf32, #tpu.memory_space<hbm>>
        tpu.wait_dma2 semaphore(%arg20 : memref<!tpu.dma_semaphore, #tpu.memory_space<semaphore_mem>>) src(%dma_wait3A_397 : memref<128xf32, #tpu.memory_space<hbm>>) dst(%dma_wait3A_396 : memref<128xf32, #tpu.memory_space<vmem>>)
        %dma_start3A_398 = arith.constant 0 : i32
        %dma_start3A_399 = arith.constant 0 : i32
        %dma_start3A_400 = tpu.memref_slice %arg7[%dma_start3A_398, %dma_start3A_399] : memref<3x128xi32, #tpu.memory_space<vmem>> -> memref<1x128xi32, #tpu.memory_space<vmem>>
        %dma_start3A_401 = tpu.memref_squeeze %dma_start3A_400 : memref<1x128xi32, #tpu.memory_space<vmem>> -> memref<128xi32, #tpu.memory_space<vmem>>
        %dma_start3A_402 = arith.constant 0 : i32
        %dma_start3A_403 = arith.constant 0 : i32
        %dma_start3A_404 = tpu.memref_slice %arg2[%dma_start3A_402, %dma_start3A_403] : memref<10000x128xf32, #tpu.memory_space<hbm>> -> memref<10000x128xf32, #tpu.memory_space<hbm>>
        tpu.enqueue_indirect_dma source(%dma_start3A_404 : memref<10000x128xf32, #tpu.memory_space<hbm>>) target(%arg10 : memref<128x128xf32, #tpu.memory_space<vmem>>) offsets(%dma_start3A_401 : memref<128xi32, #tpu.memory_space<vmem>>) semaphore(%arg14 : memref<!tpu.dma_semaphore, #tpu.memory_space<semaphore_mem>>)
      } else {
      }
      %add3A_293 = arith.constant 3 : i32
      %add3A_294 = arith.addi %add3A_246, %add3A_293 : i32
      %lt3A_295 = arith.constant 81 : i32
      %lt3A_296 = arith.cmpi slt, %add3A_294, %lt3A_295 : i32
      %convert_element_type3A_297 = arith.extui %lt3A_296 : i1 to i32
      %cond3A_298 = arith.constant 0 : i32
      %cond3A_299 = arith.cmpi ne, %convert_element_type3A_297, %cond3A_298 : i32
      scf.if %cond3A_299 {
        %add3A_357 = arith.constant 3 : i32
        %add3A_358 = arith.addi %add3A_246, %add3A_357 : i32
        %mul3A_359 = arith.constant 10368 : i32
        %mul3A_360 = arith.muli %add3A, %mul3A_359 : i32
        %mul3A_361 = arith.constant 128 : i32
        %mul3A_362 = arith.muli %add3A_358, %mul3A_361 : i32
        %add3A_363 = arith.addi %mul3A_360, %mul3A_362 : i32
        %dma_start3A_364 = arith.constant 1 : i32
        %dma_start3A_365 = arith.constant 0 : i32
        %dma_start3A_366 = tpu.memref_slice %arg7[%dma_start3A_364, %dma_start3A_365] : memref<3x128xi32, #tpu.memory_space<vmem>> -> memref<1x128xi32, #tpu.memory_space<vmem>>
        %dma_start3A_367 = tpu.memref_squeeze %dma_start3A_366 : memref<1x128xi32, #tpu.memory_space<vmem>> -> memref<128xi32, #tpu.memory_space<vmem>>
        %dma_start3A_368 = tpu.memref_slice %arg3[%add3A_363] : memref<331776xi32, #tpu.memory_space<hbm>> -> memref<128xi32, #tpu.memory_space<hbm>>
        %dma_start3A_369 = arith.constant 0 : i32
        %dma_start3A_370 = tpu.memref_slice %arg7[%dma_start3A_364, %dma_start3A_369] : memref<3x128xi32, #tpu.memory_space<vmem>> -> memref<1x128xi32, #tpu.memory_space<vmem>>
        %dma_start3A_371 = tpu.memref_squeeze %dma_start3A_370 : memref<1x128xi32, #tpu.memory_space<vmem>> -> memref<128xi32, #tpu.memory_space<vmem>>
        %dma_start3A_372 = tpu.memref_slice %arg3[%add3A_363] : memref<331776xi32, #tpu.memory_space<hbm>> -> memref<128xi32, #tpu.memory_space<hbm>>
        tpu.enqueue_dma source(%dma_start3A_372 : memref<128xi32, #tpu.memory_space<hbm>>) target(%dma_start3A_371 : memref<128xi32, #tpu.memory_space<vmem>>) target_semaphore(%arg21 : memref<!tpu.dma_semaphore, #tpu.memory_space<semaphore_mem>>)
        %dma_start3A_373 = arith.constant 1 : i32
        %dma_start3A_374 = arith.constant 0 : i32
        %dma_start3A_375 = tpu.memref_slice %arg9[%dma_start3A_373, %dma_start3A_374] : memref<3x128xf32, #tpu.memory_space<vmem>> -> memref<1x128xf32, #tpu.memory_space<vmem>>
        %dma_start3A_376 = tpu.memref_squeeze %dma_start3A_375 : memref<1x128xf32, #tpu.memory_space<vmem>> -> memref<128xf32, #tpu.memory_space<vmem>>
        %dma_start3A_377 = tpu.memref_slice %arg5[%add3A_363] : memref<331776xf32, #tpu.memory_space<hbm>> -> memref<128xf32, #tpu.memory_space<hbm>>
        %dma_start3A_378 = arith.constant 0 : i32
        %dma_start3A_379 = tpu.memref_slice %arg9[%dma_start3A_373, %dma_start3A_378] : memref<3x128xf32, #tpu.memory_space<vmem>> -> memref<1x128xf32, #tpu.memory_space<vmem>>
        %dma_start3A_380 = tpu.memref_squeeze %dma_start3A_379 : memref<1x128xf32, #tpu.memory_space<vmem>> -> memref<128xf32, #tpu.memory_space<vmem>>
        %dma_start3A_381 = tpu.memref_slice %arg5[%add3A_363] : memref<331776xf32, #tpu.memory_space<hbm>> -> memref<128xf32, #tpu.memory_space<hbm>>
        tpu.enqueue_dma source(%dma_start3A_381 : memref<128xf32, #tpu.memory_space<hbm>>) target(%dma_start3A_380 : memref<128xf32, #tpu.memory_space<vmem>>) target_semaphore(%arg21 : memref<!tpu.dma_semaphore, #tpu.memory_space<semaphore_mem>>)
      } else {
      }
      %mul3A_300 = arith.constant 3 : i32
      %mul3A_301 = arith.muli %mul3A_300, %scan3A_187 : i32
      %add3A_302 = arith.constant 2 : i32
      %add3A_303 = arith.addi %mul3A_301, %add3A_302 : i32
      %dma_wait3A_304 = arith.constant 2 : i32
      %dma_wait3A_305 = arith.constant 0 : i32
      %dma_wait3A_306 = tpu.memref_slice %arg7[%dma_wait3A_304, %dma_wait3A_305] : memref<3x128xi32, #tpu.memory_space<vmem>> -> memref<1x128xi32, #tpu.memory_space<vmem>>
      %dma_wait3A_307 = tpu.memref_squeeze %dma_wait3A_306 : memref<1x128xi32, #tpu.memory_space<vmem>> -> memref<128xi32, #tpu.memory_space<vmem>>
      %dma_wait3A_308 = arith.constant 0 : i32
      %dma_wait3A_309 = arith.constant 0 : i32
      %dma_wait3A_310 = tpu.memref_slice %arg2[%dma_wait3A_308, %dma_wait3A_309] : memref<10000x128xf32, #tpu.memory_space<hbm>> -> memref<10000x128xf32, #tpu.memory_space<hbm>>
      tpu.wait_indirect_dma semaphore(%arg16 : memref<!tpu.dma_semaphore, #tpu.memory_space<semaphore_mem>>) src(%dma_wait3A_310 : memref<10000x128xf32, #tpu.memory_space<hbm>>) dst(%arg12 : memref<128x128xf32, #tpu.memory_space<vmem>>)
      %add3A_311 = arith.constant 2 : i32
      %add3A_312 = vector.broadcast %add3A_311 : i32 to vector<16xi32>
      %add3A_313 = arith.addi %broadcast_in_dim3A_162, %add3A_312 : vector<16xi32>
      %parallel_loop3A_314 = arith.constant 0 : i32
      %parallel_loop3A_315 = arith.constant 128 : i32
      %parallel_loop3A_316 = arith.constant 1 : i32
      scf.for %parallel_loop3A_357 = %parallel_loop3A_314 to %parallel_loop3A_315 step %parallel_loop3A_316  : i32 {
        %parallel_loop3A_358 = vector.broadcast %parallel_loop3A_357 : i32 to vector<16xi32>
        %parallel_loop3A_359 = arith.addi %broadcast_in_dim3A_162, %parallel_loop3A_358 : vector<16xi32>
        %parallel_loop3A_360 = tpu.vector_load_idx %arg9[%add3A_313, %parallel_loop3A_359] : memref<3x128xf32, #tpu.memory_space<vmem>>[vector<16xi32>, vector<16xi32>], vector<16xf32>,
        %parallel_loop3A_361 = arith.index_cast %parallel_loop3A_357 : i32 to index
        %parallel_loop3A_362 = arith.constant 0 : index
        %parallel_loop3A_363 = tpu.vector_load %arg12[%parallel_loop3A_361, %parallel_loop3A_362] {strides = array<i32>} : memref<128x128xf32, #tpu.memory_space<vmem>>, vector<16xf32>,
        %parallel_loop3A_364 = arith.mulf %parallel_loop3A_363, %parallel_loop3A_360 : vector<16xf32>
        %parallel_loop3A_365 = arith.index_cast %parallel_loop3A_357 : i32 to index
        %parallel_loop3A_366 = arith.constant 0 : index
        %parallel_loop3A_367 = tpu.vector_load %arg12[%parallel_loop3A_365, %parallel_loop3A_366] {strides = array<i32>} : memref<128x128xf32, #tpu.memory_space<vmem>>, vector<16xf32>,
        tpu.vector_store %arg12[%parallel_loop3A_365, %parallel_loop3A_366], %parallel_loop3A_364 {strides = array<i32>} : memref<128x128xf32, #tpu.memory_space<vmem>>, vector<16xf32>,
        %parallel_loop3A_368 = arith.index_cast %parallel_loop3A_357 : i32 to index
        %parallel_loop3A_369 = arith.constant 16 : index
        %parallel_loop3A_370 = tpu.vector_load %arg12[%parallel_loop3A_368, %parallel_loop3A_369] {strides = array<i32>} : memref<128x128xf32, #tpu.memory_space<vmem>>, vector<16xf32>,
        %parallel_loop3A_371 = arith.mulf %parallel_loop3A_370, %parallel_loop3A_360 : vector<16xf32>
        %parallel_loop3A_372 = arith.index_cast %parallel_loop3A_357 : i32 to index
        %parallel_loop3A_373 = arith.constant 16 : index
        %parallel_loop3A_374 = tpu.vector_load %arg12[%parallel_loop3A_372, %parallel_loop3A_373] {strides = array<i32>} : memref<128x128xf32, #tpu.memory_space<vmem>>, vector<16xf32>,
        tpu.vector_store %arg12[%parallel_loop3A_372, %parallel_loop3A_373], %parallel_loop3A_371 {strides = array<i32>} : memref<128x128xf32, #tpu.memory_space<vmem>>, vector<16xf32>,
        %parallel_loop3A_375 = arith.index_cast %parallel_loop3A_357 : i32 to index
        %parallel_loop3A_376 = arith.constant 32 : index
        %parallel_loop3A_377 = tpu.vector_load %arg12[%parallel_loop3A_375, %parallel_loop3A_376] {strides = array<i32>} : memref<128x128xf32, #tpu.memory_space<vmem>>, vector<16xf32>,
        %parallel_loop3A_378 = arith.mulf %parallel_loop3A_377, %parallel_loop3A_360 : vector<16xf32>
        %parallel_loop3A_379 = arith.index_cast %parallel_loop3A_357 : i32 to index
        %parallel_loop3A_380 = arith.constant 32 : index
        %parallel_loop3A_381 = tpu.vector_load %arg12[%parallel_loop3A_379, %parallel_loop3A_380] {strides = array<i32>} : memref<128x128xf32, #tpu.memory_space<vmem>>, vector<16xf32>,
        tpu.vector_store %arg12[%parallel_loop3A_379, %parallel_loop3A_380], %parallel_loop3A_378 {strides = array<i32>} : memref<128x128xf32, #tpu.memory_space<vmem>>, vector<16xf32>,
        %parallel_loop3A_382 = arith.index_cast %parallel_loop3A_357 : i32 to index
        %parallel_loop3A_383 = arith.constant 48 : index
        %parallel_loop3A_384 = tpu.vector_load %arg12[%parallel_loop3A_382, %parallel_loop3A_383] {strides = array<i32>} : memref<128x128xf32, #tpu.memory_space<vmem>>, vector<16xf32>,
        %parallel_loop3A_385 = arith.mulf %parallel_loop3A_384, %parallel_loop3A_360 : vector<16xf32>
        %parallel_loop3A_386 = arith.index_cast %parallel_loop3A_357 : i32 to index
        %parallel_loop3A_387 = arith.constant 48 : index
        %parallel_loop3A_388 = tpu.vector_load %arg12[%parallel_loop3A_386, %parallel_loop3A_387] {strides = array<i32>} : memref<128x128xf32, #tpu.memory_space<vmem>>, vector<16xf32>,
        tpu.vector_store %arg12[%parallel_loop3A_386, %parallel_loop3A_387], %parallel_loop3A_385 {strides = array<i32>} : memref<128x128xf32, #tpu.memory_space<vmem>>, vector<16xf32>,
        %parallel_loop3A_389 = arith.index_cast %parallel_loop3A_357 : i32 to index
        %parallel_loop3A_390 = arith.constant 64 : index
        %parallel_loop3A_391 = tpu.vector_load %arg12[%parallel_loop3A_389, %parallel_loop3A_390] {strides = array<i32>} : memref<128x128xf32, #tpu.memory_space<vmem>>, vector<16xf32>,
        %parallel_loop3A_392 = arith.mulf %parallel_loop3A_391, %parallel_loop3A_360 : vector<16xf32>
        %parallel_loop3A_393 = arith.index_cast %parallel_loop3A_357 : i32 to index
        %parallel_loop3A_394 = arith.constant 64 : index
        %parallel_loop3A_395 = tpu.vector_load %arg12[%parallel_loop3A_393, %parallel_loop3A_394] {strides = array<i32>} : memref<128x128xf32, #tpu.memory_space<vmem>>, vector<16xf32>,
        tpu.vector_store %arg12[%parallel_loop3A_393, %parallel_loop3A_394], %parallel_loop3A_392 {strides = array<i32>} : memref<128x128xf32, #tpu.memory_space<vmem>>, vector<16xf32>,
        %parallel_loop3A_396 = arith.index_cast %parallel_loop3A_357 : i32 to index
        %parallel_loop3A_397 = arith.constant 80 : index
        %parallel_loop3A_398 = tpu.vector_load %arg12[%parallel_loop3A_396, %parallel_loop3A_397] {strides = array<i32>} : memref<128x128xf32, #tpu.memory_space<vmem>>, vector<16xf32>,
        %parallel_loop3A_399 = arith.mulf %parallel_loop3A_398, %parallel_loop3A_360 : vector<16xf32>
        %parallel_loop3A_400 = arith.index_cast %parallel_loop3A_357 : i32 to index
        %parallel_loop3A_401 = arith.constant 80 : index
        %parallel_loop3A_402 = tpu.vector_load %arg12[%parallel_loop3A_400, %parallel_loop3A_401] {strides = array<i32>} : memref<128x128xf32, #tpu.memory_space<vmem>>, vector<16xf32>,
        tpu.vector_store %arg12[%parallel_loop3A_400, %parallel_loop3A_401], %parallel_loop3A_399 {strides = array<i32>} : memref<128x128xf32, #tpu.memory_space<vmem>>, vector<16xf32>,
        %parallel_loop3A_403 = arith.index_cast %parallel_loop3A_357 : i32 to index
        %parallel_loop3A_404 = arith.constant 96 : index
        %parallel_loop3A_405 = tpu.vector_load %arg12[%parallel_loop3A_403, %parallel_loop3A_404] {strides = array<i32>} : memref<128x128xf32, #tpu.memory_space<vmem>>, vector<16xf32>,
        %parallel_loop3A_406 = arith.mulf %parallel_loop3A_405, %parallel_loop3A_360 : vector<16xf32>
        %parallel_loop3A_407 = arith.index_cast %parallel_loop3A_357 : i32 to index
        %parallel_loop3A_408 = arith.constant 96 : index
        %parallel_loop3A_409 = tpu.vector_load %arg12[%parallel_loop3A_407, %parallel_loop3A_408] {strides = array<i32>} : memref<128x128xf32, #tpu.memory_space<vmem>>, vector<16xf32>,
        tpu.vector_store %arg12[%parallel_loop3A_407, %parallel_loop3A_408], %parallel_loop3A_406 {strides = array<i32>} : memref<128x128xf32, #tpu.memory_space<vmem>>, vector<16xf32>,
        %parallel_loop3A_410 = arith.index_cast %parallel_loop3A_357 : i32 to index
        %parallel_loop3A_411 = arith.constant 112 : index
        %parallel_loop3A_412 = tpu.vector_load %arg12[%parallel_loop3A_410, %parallel_loop3A_411] {strides = array<i32>} : memref<128x128xf32, #tpu.memory_space<vmem>>, vector<16xf32>,
        %parallel_loop3A_413 = arith.mulf %parallel_loop3A_412, %parallel_loop3A_360 : vector<16xf32>
        %parallel_loop3A_414 = arith.index_cast %parallel_loop3A_357 : i32 to index
        %parallel_loop3A_415 = arith.constant 112 : index
        %parallel_loop3A_416 = tpu.vector_load %arg12[%parallel_loop3A_414, %parallel_loop3A_415] {strides = array<i32>} : memref<128x128xf32, #tpu.memory_space<vmem>>, vector<16xf32>,
        tpu.vector_store %arg12[%parallel_loop3A_414, %parallel_loop3A_415], %parallel_loop3A_413 {strides = array<i32>} : memref<128x128xf32, #tpu.memory_space<vmem>>, vector<16xf32>,
      } {sc.loop_unroll_factor = 4 : i64, sc.parallel_access}
      %gt3A_317 = arith.constant 0 : i32
      %gt3A_318 = arith.cmpi sgt, %add3A_303, %gt3A_317 : i32
      %convert_element_type3A_319 = arith.extui %gt3A_318 : i1 to i32
      %cond3A_320 = arith.constant 0 : i32
      %cond3A_321 = arith.cmpi ne, %convert_element_type3A_319, %cond3A_320 : i32
      scf.if %cond3A_321 {
        %dma_wait3A_357 = arith.constant 1 : i32
        %dma_wait3A_358 = arith.constant 0 : i32
        %dma_wait3A_359 = tpu.memref_slice %arg8[%dma_wait3A_357, %dma_wait3A_358] : memref<3x128xi32, #tpu.memory_space<vmem>> -> memref<1x128xi32, #tpu.memory_space<vmem>>
        %dma_wait3A_360 = tpu.memref_squeeze %dma_wait3A_359 : memref<1x128xi32, #tpu.memory_space<vmem>> -> memref<128xi32, #tpu.memory_space<vmem>>
        %dma_wait3A_361 = arith.constant 0 : i32
        %dma_wait3A_362 = arith.constant 0 : i32
        %dma_wait3A_363 = tpu.memref_slice %arg13[%dma_wait3A_361, %dma_wait3A_362] : memref<10000x128xf32, #tpu.memory_space<vmem_shared>> -> memref<10000x128xf32, #tpu.memory_space<vmem_shared>>
        tpu.wait_indirect_dma semaphore(%arg18 : memref<!tpu.dma_semaphore, #tpu.memory_space<semaphore_mem>>) src(%arg11 : memref<128x128xf32, #tpu.memory_space<vmem>>) dst(%dma_wait3A_363 : memref<10000x128xf32, #tpu.memory_space<vmem_shared>>)
      } else {
      }
      %mul3A_322 = arith.constant 10368 : i32
      %mul3A_323 = arith.muli %add3A, %mul3A_322 : i32
      %mul3A_324 = arith.constant 128 : i32
      %mul3A_325 = arith.muli %add3A_303, %mul3A_324 : i32
      %add3A_326 = arith.addi %mul3A_323, %mul3A_325 : i32
      %dma_wait3A_327 = arith.constant 2 : i32
      %dma_wait3A_328 = arith.constant 0 : i32
      %dma_wait3A_329 = tpu.memref_slice %arg8[%dma_wait3A_327, %dma_wait3A_328] : memref<3x128xi32, #tpu.memory_space<vmem>> -> memref<1x128xi32, #tpu.memory_space<vmem>>
      %dma_wait3A_330 = tpu.memref_squeeze %dma_wait3A_329 : memref<1x128xi32, #tpu.memory_space<vmem>> -> memref<128xi32, #tpu.memory_space<vmem>>
      %dma_wait3A_331 = tpu.memref_slice %arg4[%add3A_326] : memref<331776xi32, #tpu.memory_space<hbm>> -> memref<128xi32, #tpu.memory_space<hbm>>
      %dma_wait3A_332 = arith.constant 0 : i32
      %dma_wait3A_333 = tpu.memref_slice %arg8[%dma_wait3A_327, %dma_wait3A_332] : memref<3x128xi32, #tpu.memory_space<vmem>> -> memref<1x128xi32, #tpu.memory_space<vmem>>
      %dma_wait3A_334 = tpu.memref_squeeze %dma_wait3A_333 : memref<1x128xi32, #tpu.memory_space<vmem>> -> memref<128xi32, #tpu.memory_space<vmem>>
      %dma_wait3A_335 = tpu.memref_slice %arg4[%add3A_326] : memref<331776xi32, #tpu.memory_space<hbm>> -> memref<128xi32, #tpu.memory_space<hbm>>
      tpu.wait_dma2 semaphore(%arg25 : memref<!tpu.dma_semaphore, #tpu.memory_space<semaphore_mem>>) src(%dma_wait3A_335 : memref<128xi32, #tpu.memory_space<hbm>>) dst(%dma_wait3A_334 : memref<128xi32, #tpu.memory_space<vmem>>)
      %dma_start3A_336 = arith.constant 2 : i32
      %dma_start3A_337 = arith.constant 0 : i32
      %dma_start3A_338 = tpu.memref_slice %arg8[%dma_start3A_336, %dma_start3A_337] : memref<3x128xi32, #tpu.memory_space<vmem>> -> memref<1x128xi32, #tpu.memory_space<vmem>>
      %dma_start3A_339 = tpu.memref_squeeze %dma_start3A_338 : memref<1x128xi32, #tpu.memory_space<vmem>> -> memref<128xi32, #tpu.memory_space<vmem>>
      %dma_start3A_340 = arith.constant 0 : i32
      %dma_start3A_341 = arith.constant 0 : i32
      %dma_start3A_342 = tpu.memref_slice %arg13[%dma_start3A_340, %dma_start3A_341] : memref<10000x128xf32, #tpu.memory_space<vmem_shared>> -> memref<10000x128xf32, #tpu.memory_space<vmem_shared>>
      tpu.enqueue_indirect_dma source(%arg12 : memref<128x128xf32, #tpu.memory_space<vmem>>) target(%dma_start3A_342 : memref<10000x128xf32, #tpu.memory_space<vmem_shared>>) offsets(%dma_start3A_339 : memref<128xi32, #tpu.memory_space<vmem>>) semaphore(%arg19 : memref<!tpu.dma_semaphore, #tpu.memory_space<semaphore_mem>>) {add = true}
      %add3A_343 = arith.constant 2 : i32
      %add3A_344 = arith.addi %add3A_303, %add3A_343 : i32
      %lt3A_345 = arith.constant 81 : i32
      %lt3A_346 = arith.cmpi slt, %add3A_344, %lt3A_345 : i32
      %convert_element_type3A_347 = arith.extui %lt3A_346 : i1 to i32
      %cond3A_348 = arith.constant 0 : i32
      %cond3A_349 = arith.cmpi ne, %convert_element_type3A_347, %cond3A_348 : i32
      scf.if %cond3A_349 {
        %add3A_357 = arith.constant 2 : i32
        %add3A_358 = arith.addi %add3A_303, %add3A_357 : i32
        %mul3A_359 = arith.constant 10368 : i32
        %mul3A_360 = arith.muli %add3A, %mul3A_359 : i32
        %mul3A_361 = arith.constant 128 : i32
        %mul3A_362 = arith.muli %add3A_358, %mul3A_361 : i32
        %add3A_363 = arith.addi %mul3A_360, %mul3A_362 : i32
        %dma_start3A_364 = arith.constant 1 : i32
        %dma_start3A_365 = arith.constant 0 : i32
        %dma_start3A_366 = tpu.memref_slice %arg8[%dma_start3A_364, %dma_start3A_365] : memref<3x128xi32, #tpu.memory_space<vmem>> -> memref<1x128xi32, #tpu.memory_space<vmem>>
        %dma_start3A_367 = tpu.memref_squeeze %dma_start3A_366 : memref<1x128xi32, #tpu.memory_space<vmem>> -> memref<128xi32, #tpu.memory_space<vmem>>
        %dma_start3A_368 = tpu.memref_slice %arg4[%add3A_363] : memref<331776xi32, #tpu.memory_space<hbm>> -> memref<128xi32, #tpu.memory_space<hbm>>
        %dma_start3A_369 = arith.constant 0 : i32
        %dma_start3A_370 = tpu.memref_slice %arg8[%dma_start3A_364, %dma_start3A_369] : memref<3x128xi32, #tpu.memory_space<vmem>> -> memref<1x128xi32, #tpu.memory_space<vmem>>
        %dma_start3A_371 = tpu.memref_squeeze %dma_start3A_370 : memref<1x128xi32, #tpu.memory_space<vmem>> -> memref<128xi32, #tpu.memory_space<vmem>>
        %dma_start3A_372 = tpu.memref_slice %arg4[%add3A_363] : memref<331776xi32, #tpu.memory_space<hbm>> -> memref<128xi32, #tpu.memory_space<hbm>>
        tpu.enqueue_dma source(%dma_start3A_372 : memref<128xi32, #tpu.memory_space<hbm>>) target(%dma_start3A_371 : memref<128xi32, #tpu.memory_space<vmem>>) target_semaphore(%arg24 : memref<!tpu.dma_semaphore, #tpu.memory_space<semaphore_mem>>)
        %add3A_373 = arith.constant 2 : i32
        %add3A_374 = arith.addi %add3A_303, %add3A_373 : i32
        %mul3A_375 = arith.constant 10368 : i32
        %mul3A_376 = arith.muli %add3A, %mul3A_375 : i32
        %mul3A_377 = arith.constant 128 : i32
        %mul3A_378 = arith.muli %add3A_374, %mul3A_377 : i32
        %add3A_379 = arith.addi %mul3A_376, %mul3A_378 : i32
        %dma_wait3A_380 = arith.constant 1 : i32
        %dma_wait3A_381 = arith.constant 0 : i32
        %dma_wait3A_382 = tpu.memref_slice %arg7[%dma_wait3A_380, %dma_wait3A_381] : memref<3x128xi32, #tpu.memory_space<vmem>> -> memref<1x128xi32, #tpu.memory_space<vmem>>
        %dma_wait3A_383 = tpu.memref_squeeze %dma_wait3A_382 : memref<1x128xi32, #tpu.memory_space<vmem>> -> memref<128xi32, #tpu.memory_space<vmem>>
        %dma_wait3A_384 = tpu.memref_slice %arg3[%add3A_379] : memref<331776xi32, #tpu.memory_space<hbm>> -> memref<128xi32, #tpu.memory_space<hbm>>
        %dma_wait3A_385 = arith.constant 0 : i32
        %dma_wait3A_386 = tpu.memref_slice %arg7[%dma_wait3A_380, %dma_wait3A_385] : memref<3x128xi32, #tpu.memory_space<vmem>> -> memref<1x128xi32, #tpu.memory_space<vmem>>
        %dma_wait3A_387 = tpu.memref_squeeze %dma_wait3A_386 : memref<1x128xi32, #tpu.memory_space<vmem>> -> memref<128xi32, #tpu.memory_space<vmem>>
        %dma_wait3A_388 = tpu.memref_slice %arg3[%add3A_379] : memref<331776xi32, #tpu.memory_space<hbm>> -> memref<128xi32, #tpu.memory_space<hbm>>
        tpu.wait_dma2 semaphore(%arg21 : memref<!tpu.dma_semaphore, #tpu.memory_space<semaphore_mem>>) src(%dma_wait3A_388 : memref<128xi32, #tpu.memory_space<hbm>>) dst(%dma_wait3A_387 : memref<128xi32, #tpu.memory_space<vmem>>)
        %dma_wait3A_389 = arith.constant 1 : i32
        %dma_wait3A_390 = arith.constant 0 : i32
        %dma_wait3A_391 = tpu.memref_slice %arg9[%dma_wait3A_389, %dma_wait3A_390] : memref<3x128xf32, #tpu.memory_space<vmem>> -> memref<1x128xf32, #tpu.memory_space<vmem>>
        %dma_wait3A_392 = tpu.memref_squeeze %dma_wait3A_391 : memref<1x128xf32, #tpu.memory_space<vmem>> -> memref<128xf32, #tpu.memory_space<vmem>>
        %dma_wait3A_393 = tpu.memref_slice %arg5[%add3A_379] : memref<331776xf32, #tpu.memory_space<hbm>> -> memref<128xf32, #tpu.memory_space<hbm>>
        %dma_wait3A_394 = arith.constant 0 : i32
        %dma_wait3A_395 = tpu.memref_slice %arg9[%dma_wait3A_389, %dma_wait3A_394] : memref<3x128xf32, #tpu.memory_space<vmem>> -> memref<1x128xf32, #tpu.memory_space<vmem>>
        %dma_wait3A_396 = tpu.memref_squeeze %dma_wait3A_395 : memref<1x128xf32, #tpu.memory_space<vmem>> -> memref<128xf32, #tpu.memory_space<vmem>>
        %dma_wait3A_397 = tpu.memref_slice %arg5[%add3A_379] : memref<331776xf32, #tpu.memory_space<hbm>> -> memref<128xf32, #tpu.memory_space<hbm>>
        tpu.wait_dma2 semaphore(%arg21 : memref<!tpu.dma_semaphore, #tpu.memory_space<semaphore_mem>>) src(%dma_wait3A_397 : memref<128xf32, #tpu.memory_space<hbm>>) dst(%dma_wait3A_396 : memref<128xf32, #tpu.memory_space<vmem>>)
        %dma_start3A_398 = arith.constant 1 : i32
        %dma_start3A_399 = arith.constant 0 : i32
        %dma_start3A_400 = tpu.memref_slice %arg7[%dma_start3A_398, %dma_start3A_399] : memref<3x128xi32, #tpu.memory_space<vmem>> -> memref<1x128xi32, #tpu.memory_space<vmem>>
        %dma_start3A_401 = tpu.memref_squeeze %dma_start3A_400 : memref<1x128xi32, #tpu.memory_space<vmem>> -> memref<128xi32, #tpu.memory_space<vmem>>
        %dma_start3A_402 = arith.constant 0 : i32
        %dma_start3A_403 = arith.constant 0 : i32
        %dma_start3A_404 = tpu.memref_slice %arg2[%dma_start3A_402, %dma_start3A_403] : memref<10000x128xf32, #tpu.memory_space<hbm>> -> memref<10000x128xf32, #tpu.memory_space<hbm>>
        tpu.enqueue_indirect_dma source(%dma_start3A_404 : memref<10000x128xf32, #tpu.memory_space<hbm>>) target(%arg11 : memref<128x128xf32, #tpu.memory_space<vmem>>) offsets(%dma_start3A_401 : memref<128xi32, #tpu.memory_space<vmem>>) semaphore(%arg15 : memref<!tpu.dma_semaphore, #tpu.memory_space<semaphore_mem>>)
      } else {
      }
      %add3A_350 = arith.constant 3 : i32
      %add3A_351 = arith.addi %add3A_303, %add3A_350 : i32
      %lt3A_352 = arith.constant 81 : i32
      %lt3A_353 = arith.cmpi slt, %add3A_351, %lt3A_352 : i32
      %convert_element_type3A_354 = arith.extui %lt3A_353 : i1 to i32
      %cond3A_355 = arith.constant 0 : i32
      %cond3A_356 = arith.cmpi ne, %convert_element_type3A_354, %cond3A_355 : i32
      scf.if %cond3A_356 {
        %add3A_357 = arith.constant 3 : i32
        %add3A_358 = arith.addi %add3A_303, %add3A_357 : i32
        %mul3A_359 = arith.constant 10368 : i32
        %mul3A_360 = arith.muli %add3A, %mul3A_359 : i32
        %mul3A_361 = arith.constant 128 : i32
        %mul3A_362 = arith.muli %add3A_358, %mul3A_361 : i32
        %add3A_363 = arith.addi %mul3A_360, %mul3A_362 : i32
        %dma_start3A_364 = arith.constant 2 : i32
        %dma_start3A_365 = arith.constant 0 : i32
        %dma_start3A_366 = tpu.memref_slice %arg7[%dma_start3A_364, %dma_start3A_365] : memref<3x128xi32, #tpu.memory_space<vmem>> -> memref<1x128xi32, #tpu.memory_space<vmem>>
        %dma_start3A_367 = tpu.memref_squeeze %dma_start3A_366 : memref<1x128xi32, #tpu.memory_space<vmem>> -> memref<128xi32, #tpu.memory_space<vmem>>
        %dma_start3A_368 = tpu.memref_slice %arg3[%add3A_363] : memref<331776xi32, #tpu.memory_space<hbm>> -> memref<128xi32, #tpu.memory_space<hbm>>
        %dma_start3A_369 = arith.constant 0 : i32
        %dma_start3A_370 = tpu.memref_slice %arg7[%dma_start3A_364, %dma_start3A_369] : memref<3x128xi32, #tpu.memory_space<vmem>> -> memref<1x128xi32, #tpu.memory_space<vmem>>
        %dma_start3A_371 = tpu.memref_squeeze %dma_start3A_370 : memref<1x128xi32, #tpu.memory_space<vmem>> -> memref<128xi32, #tpu.memory_space<vmem>>
        %dma_start3A_372 = tpu.memref_slice %arg3[%add3A_363] : memref<331776xi32, #tpu.memory_space<hbm>> -> memref<128xi32, #tpu.memory_space<hbm>>
        tpu.enqueue_dma source(%dma_start3A_372 : memref<128xi32, #tpu.memory_space<hbm>>) target(%dma_start3A_371 : memref<128xi32, #tpu.memory_space<vmem>>) target_semaphore(%arg22 : memref<!tpu.dma_semaphore, #tpu.memory_space<semaphore_mem>>)
        %dma_start3A_373 = arith.constant 2 : i32
        %dma_start3A_374 = arith.constant 0 : i32
        %dma_start3A_375 = tpu.memref_slice %arg9[%dma_start3A_373, %dma_start3A_374] : memref<3x128xf32, #tpu.memory_space<vmem>> -> memref<1x128xf32, #tpu.memory_space<vmem>>
        %dma_start3A_376 = tpu.memref_squeeze %dma_start3A_375 : memref<1x128xf32, #tpu.memory_space<vmem>> -> memref<128xf32, #tpu.memory_space<vmem>>
        %dma_start3A_377 = tpu.memref_slice %arg5[%add3A_363] : memref<331776xf32, #tpu.memory_space<hbm>> -> memref<128xf32, #tpu.memory_space<hbm>>
        %dma_start3A_378 = arith.constant 0 : i32
        %dma_start3A_379 = tpu.memref_slice %arg9[%dma_start3A_373, %dma_start3A_378] : memref<3x128xf32, #tpu.memory_space<vmem>> -> memref<1x128xf32, #tpu.memory_space<vmem>>
        %dma_start3A_380 = tpu.memref_squeeze %dma_start3A_379 : memref<1x128xf32, #tpu.memory_space<vmem>> -> memref<128xf32, #tpu.memory_space<vmem>>
        %dma_start3A_381 = tpu.memref_slice %arg5[%add3A_363] : memref<331776xf32, #tpu.memory_space<hbm>> -> memref<128xf32, #tpu.memory_space<hbm>>
        tpu.enqueue_dma source(%dma_start3A_381 : memref<128xf32, #tpu.memory_space<hbm>>) target(%dma_start3A_380 : memref<128xf32, #tpu.memory_space<vmem>>) target_semaphore(%arg22 : memref<!tpu.dma_semaphore, #tpu.memory_space<semaphore_mem>>)
      } else {
      }
    }
    %scan3A_168 = arith.constant 27 : i32
    %dma_wait3A_169 = arith.constant 2 : i32
    %dma_wait3A_170 = arith.constant 0 : i32
    %dma_wait3A_171 = tpu.memref_slice %arg8[%dma_wait3A_169, %dma_wait3A_170] : memref<3x128xi32, #tpu.memory_space<vmem>> -> memref<1x128xi32, #tpu.memory_space<vmem>>
    %dma_wait3A_172 = tpu.memref_squeeze %dma_wait3A_171 : memref<1x128xi32, #tpu.memory_space<vmem>> -> memref<128xi32, #tpu.memory_space<vmem>>
    %dma_wait3A_173 = arith.constant 0 : i32
    %dma_wait3A_174 = arith.constant 0 : i32
    %dma_wait3A_175 = tpu.memref_slice %arg13[%dma_wait3A_173, %dma_wait3A_174] : memref<10000x128xf32, #tpu.memory_space<vmem_shared>> -> memref<10000x128xf32, #tpu.memory_space<vmem_shared>>
    tpu.wait_indirect_dma semaphore(%arg19 : memref<!tpu.dma_semaphore, #tpu.memory_space<semaphore_mem>>) src(%arg12 : memref<128x128xf32, #tpu.memory_space<vmem>>) dst(%dma_wait3A_175 : memref<10000x128xf32, #tpu.memory_space<vmem_shared>>)
    %barrier3A_176 = arith.constant 0 : index
    tpu.barrier barrier_id(%barrier3A_176)
    %lt3A_177 = arith.constant 15 : i32
    %lt3A_178 = arith.cmpi slt, %arg1, %lt3A_177 : i32
    %convert_element_type3A_179 = arith.extui %lt3A_178 : i1 to i32
    %cond3A_180 = arith.constant 0 : i32
    %cond3A_181 = arith.cmpi ne, %convert_element_type3A_179, %cond3A_180 : i32
    scf.if %cond3A_181 {
      %mul3A_187 = arith.constant 632 : i32
      %mul3A_188 = arith.muli %arg1, %mul3A_187 : i32
      %mul3A_189 = arith.constant 632 : i32
      %mul3A_190 = arith.muli %arg1, %mul3A_189 : i32
      "tpu.region"() ({
        %run_scoped3A = tpu.sem_alloc : memref<!tpu.dma_semaphore, #tpu.memory_space<semaphore_mem>>
        %dma_start3A_191 = arith.constant 0 : i32
        %dma_start3A_192 = tpu.memref_slice %arg6[%arg0, %mul3A_190, %dma_start3A_191] : memref<2x10000x128xf32, #tpu.memory_space<hbm>> -> memref<1x632x128xf32, #tpu.memory_space<hbm>>
        %dma_start3A_193 = tpu.memref_squeeze %dma_start3A_192 : memref<1x632x128xf32, #tpu.memory_space<hbm>> -> memref<632x128xf32, #tpu.memory_space<hbm>>
        %dma_start3A_194 = arith.constant 0 : i32
        %dma_start3A_195 = tpu.memref_slice %arg13[%mul3A_188, %dma_start3A_194] : memref<10000x128xf32, #tpu.memory_space<vmem_shared>> -> memref<632x128xf32, #tpu.memory_space<vmem_shared>>
        tpu.enqueue_dma source(%dma_start3A_195 : memref<632x128xf32, #tpu.memory_space<vmem_shared>>) target(%dma_start3A_193 : memref<632x128xf32, #tpu.memory_space<hbm>>) target_semaphore(%run_scoped3A : memref<!tpu.dma_semaphore, #tpu.memory_space<semaphore_mem>>)
        %dma_wait3A_196 = arith.constant 0 : i32
        %dma_wait3A_197 = tpu.memref_slice %arg6[%arg0, %mul3A_190, %dma_wait3A_196] : memref<2x10000x128xf32, #tpu.memory_space<hbm>> -> memref<1x632x128xf32, #tpu.memory_space<hbm>>
        %dma_wait3A_198 = tpu.memref_squeeze %dma_wait3A_197 : memref<1x632x128xf32, #tpu.memory_space<hbm>> -> memref<632x128xf32, #tpu.memory_space<hbm>>
        %dma_wait3A_199 = arith.constant 0 : i32
        %dma_wait3A_200 = tpu.memref_slice %arg13[%mul3A_188, %dma_wait3A_199] : memref<10000x128xf32, #tpu.memory_space<vmem_shared>> -> memref<632x128xf32, #tpu.memory_space<vmem_shared>>
        tpu.wait_dma2 semaphore(%run_scoped3A : memref<!tpu.dma_semaphore, #tpu.memory_space<semaphore_mem>>) src(%dma_wait3A_200 : memref<632x128xf32, #tpu.memory_space<vmem_shared>>) dst(%dma_wait3A_198 : memref<632x128xf32, #tpu.memory_space<hbm>>)
        tpu.yield
      }) : () -> ()
    } else {
    }
    %eq3A_182 = arith.constant 15 : i32
    %eq3A_183 = arith.cmpi eq, %arg1, %eq3A_182 : i32
    %convert_element_type3A_184 = arith.extui %eq3A_183 : i1 to i32
    %cond3A_185 = arith.constant 0 : i32
    %cond3A_186 = arith.cmpi ne, %convert_element_type3A_184, %cond3A_185 : i32
    scf.if %cond3A_186 {
      "tpu.region"() ({
        %run_scoped3A = tpu.sem_alloc : memref<!tpu.dma_semaphore, #tpu.memory_space<semaphore_mem>>
        %dma_start3A_187 = arith.constant 9480 : i32
        %dma_start3A_188 = arith.constant 0 : i32
        %dma_start3A_189 = tpu.memref_slice %arg6[%arg0, %dma_start3A_187, %dma_start3A_188] : memref<2x10000x128xf32, #tpu.memory_space<hbm>> -> memref<1x520x128xf32, #tpu.memory_space<hbm>>
        %dma_start3A_190 = tpu.memref_squeeze %dma_start3A_189 : memref<1x520x128xf32, #tpu.memory_space<hbm>> -> memref<520x128xf32, #tpu.memory_space<hbm>>
        %dma_start3A_191 = arith.constant 9480 : i32
        %dma_start3A_192 = arith.constant 0 : i32
        %dma_start3A_193 = tpu.memref_slice %arg13[%dma_start3A_191, %dma_start3A_192] : memref<10000x128xf32, #tpu.memory_space<vmem_shared>> -> memref<520x128xf32, #tpu.memory_space<vmem_shared>>
        tpu.enqueue_dma source(%dma_start3A_193 : memref<520x128xf32, #tpu.memory_space<vmem_shared>>) target(%dma_start3A_190 : memref<520x128xf32, #tpu.memory_space<hbm>>) target_semaphore(%run_scoped3A : memref<!tpu.dma_semaphore, #tpu.memory_space<semaphore_mem>>)
        %dma_wait3A_194 = arith.constant 9480 : i32
        %dma_wait3A_195 = arith.constant 0 : i32
        %dma_wait3A_196 = tpu.memref_slice %arg6[%arg0, %dma_wait3A_194, %dma_wait3A_195] : memref<2x10000x128xf32, #tpu.memory_space<hbm>> -> memref<1x520x128xf32, #tpu.memory_space<hbm>>
        %dma_wait3A_197 = tpu.memref_squeeze %dma_wait3A_196 : memref<1x520x128xf32, #tpu.memory_space<hbm>> -> memref<520x128xf32, #tpu.memory_space<hbm>>
        %dma_wait3A_198 = arith.constant 9480 : i32
        %dma_wait3A_199 = arith.constant 0 : i32
        %dma_wait3A_200 = tpu.memref_slice %arg13[%dma_wait3A_198, %dma_wait3A_199] : memref<10000x128xf32, #tpu.memory_space<vmem_shared>> -> memref<520x128xf32, #tpu.memory_space<vmem_shared>>
        tpu.wait_dma2 semaphore(%run_scoped3A : memref<!tpu.dma_semaphore, #tpu.memory_space<semaphore_mem>>) src(%dma_wait3A_200 : memref<520x128xf32, #tpu.memory_space<vmem_shared>>) dst(%dma_wait3A_197 : memref<520x128xf32, #tpu.memory_space<hbm>>)
        tpu.yield
      }) : () -> ()
    } else {
    }
    return
  }
}

module attributes {stable_mosaic.version = 14 : i64} {
  func.func @body(%arg0: i32, %arg1: memref<2000x128xf32, #tpu.memory_space<vmem>>, %arg2: memref<2x2000x128xf32, #tpu.memory_space<vmem>>, %arg3: memref<2000x128xf32, #tpu.memory_space<vmem>>) attributes {dimension_semantics = [#tpu.dimension_semantics<arbitrary>], iteration_bounds = array<i64: 5>, scalar_prefetch = 0 : i64, scratch_operands = 0 : i64, tpu.core_type = #tpu.core_type<tc>, window_params = [{transform_indices = @transform_0, window_bounds = array<i64: 2000, 128>}, {transform_indices = @transform_1, window_bounds = array<i64: 2, 2000, 128>}, {transform_indices = @transform_2, window_bounds = array<i64: 2000, 128>}]} {
    %get3A = arith.constant 0 : index
    %get3A_0 = arith.constant 0 : index
    %get3A_1 = arith.constant 0 : index
    %get3A_2 = vector.load %arg2[%get3A, %get3A_0, %get3A_1] : memref<2x2000x128xf32, #tpu.memory_space<vmem>>, vector<1x2000x128xf32>
    %get3A_3 = vector.shape_cast %get3A_2 : vector<1x2000x128xf32> to vector<2000x128xf32>
    %get3A_4 = arith.constant 1 : index
    %get3A_5 = arith.constant 0 : index
    %get3A_6 = arith.constant 0 : index
    %get3A_7 = vector.load %arg2[%get3A_4, %get3A_5, %get3A_6] : memref<2x2000x128xf32, #tpu.memory_space<vmem>>, vector<1x2000x128xf32>
    %get3A_8 = vector.shape_cast %get3A_7 : vector<1x2000x128xf32> to vector<2000x128xf32>
    %add3A = arith.addf %get3A_3, %get3A_8 : vector<2000x128xf32>
    %get3A_9 = arith.constant 0 : index
    %get3A_10 = arith.constant 0 : index
    %get3A_11 = vector.load %arg1[%get3A_9, %get3A_10] : memref<2000x128xf32, #tpu.memory_space<vmem>>, vector<2000x128xf32>
    %max3A = arith.constant 0.000000e+00 : f32
    %max3A_12 = vector.broadcast %max3A : f32 to vector<2000x128xf32>
    %max3A_13 = arith.maximumf %add3A, %max3A_12 : vector<2000x128xf32>
    %add3A_14 = arith.addf %get3A_11, %max3A_13 : vector<2000x128xf32>
    %swap3A = arith.constant 0 : index
    %swap3A_15 = arith.constant 0 : index
    %swap3A_16 = vector.load %arg3[%swap3A, %swap3A_15] : memref<2000x128xf32, #tpu.memory_space<vmem>>, vector<2000x128xf32>
    tpu.vector_store %arg3[%swap3A, %swap3A_15], %add3A_14 {strides = array<i32>} : memref<2000x128xf32, #tpu.memory_space<vmem>>, vector<2000x128xf32>,
    return
  }
  func.func @transform_0(%arg0: i32) -> (i32, i32) {
    %c0_i32 = arith.constant 0 : i32
    %c0_i32_0 = arith.constant 0 : i32
    return %arg0, %c0_i32 : i32, i32
  }
  func.func @transform_1(%arg0: i32) -> (i32, i32, i32) {
    %c0_i32 = arith.constant 0 : i32
    %c0_i32_0 = arith.constant 0 : i32
    %c0_i32_1 = arith.constant 0 : i32
    return %c0_i32, %arg0, %c0_i32_0 : i32, i32, i32
  }
  func.func @transform_2(%arg0: i32) -> (i32, i32) {
    %c0_i32 = arith.constant 0 : i32
    %c0_i32_0 = arith.constant 0 : i32
    return %arg0, %c0_i32 : i32, i32
  }
}

</mosaic_0001>

<sc_bundles>
// kernel: kernel.4.cloned.1.call-start
scs
__scs_entry_jumppad:
0x0: {  	(pc) =	sbr.rel $0x88, $3  }
0x1: {  	(tag) =	ssettag $0x0;
	lr =	simm.s32 $0x1  }
0x2: {  	[smem:$0x3F9E] =	sst lr;
	_ =	strace $0xD0000000  }
0x3: {  	_ = 	snop  }
0x4: {  	_ = 	snop  }
0x5: {  	_ = 	snop  }
0x6: {  	_ = 	snop  }
0x7: {  	_ = 	snop  }
__scs_overlays_trampoline_lowered:
0x8: {  	[smem:$0x3FAD] =	sst s0  }
0x9: {  	[smem:$0x3FAE] =	sst s1  }
0xa: {  	[smem:$0x3FAF] =	sst s2  }
0xb: {  	[smem:$0x3FB0] =	sst s3  }
0xc: {  	[smem:$0x3FB1] =	sst s4  }
0xd: {  	[smem:$0x3FB2] =	sst s5  }
0xe: {  	[smem:$0x3FB3] =	sst s6  }
0xf: {  	[smem:$0x3FB4] =	sst s7  }
0x10: {  	[smem:$0x3FB5] =	sst s8  }
0x11: {  	[smem:$0x3FB6] =	sst s9;
	s0 =	simm.s32 @!p0 $0x0  }
0x12: {  	s1 =	sld [smem:$0x3F9C];
	s0 =	simm.s32 @p0 $0x1  }
0x13: {  	[smem:$0x3FB7] =	sst s0;
	s0 =	simm.s32 @!p1 $0x0  }
0x14: {  	s2 =	sld [smem:$0x3F9B];
	s0 =	simm.s32 @p1 $0x1  }
0x15: {  	[smem:$0x3FB8] =	sst s0;
	s0 =	simm.s32 @!p2 $0x0  }
0x16: {  	s3 =	sld [smem:$0x3FDB];
	s0 =	simm.s32 @p2 $0x1  }
0x17: {  	s4 =	simm.s32 $0x1BF5;
	[smem:$0x3FBA] =	sst s0  }
0x18: {  	s0 =	sld [smem:$0x3F9D];
	_ =	swait.ge [sflag:s4], $0x0  }
0x19: {  	s7 =	sld [smem:$0x3F9E]  }
0x1a: {  	s8 =	sadd.s32 $0xFFFFE003, lr  }
0x1b: {  	s9 =	sadd.s32 $0xFFFFFEF7, lr;
	s5 =	simm.s32 $0xFFFFFFFF;
	p2 =	slt.u32 s8, $0xFFFFF086  }
0x1c: {  	p1 =	slt.u32 s9, $0xF7A;
	s5 =	simm.s32 @!p2 $0x0  }
0x1d: {  	s5 =	simm.s32 @p1 $0x1;
	p0 =	seq.s32 s7, s2  }
0x1e: {  	s7 =	smul.u32 @!p0 $0xF7A, s2;
	p2 =	seq.s32 @!p0 s5, $0x0  }
0x1f: {  	s9 =	smul.u32 $0xF7A, s1;
	s8 =	simm.s32 @!p0 $0x1BF5;
	p2 =	por !p2, p0  }
0x20: {  	[sflag:s8] =	ssyncset.s32 @!p0 $0xFFFFF086;
	s6 =	sadd.s32 @!p0 s3, s7;
	s7 =	simm.s32 @!p0 $0x108  }
0x21: {  	s3 =	sadd.s32 s3, s9;
	s6 =	sadd.s32 @!p0 $0x88, s6;
	s7 =	simm.s32 @p2 $0x1082  }
0x22: {  	[simem:s7], [sflag:s8] =	dma.local @!p0 [hbm:s6], $0xF7A  }
0x23: {  	s9 =	sor.u32 $0xD0000000, s2;
	s6 =	simm.s32 $0x108;
	_ =	swait.ge @!p0 [sflag:s8], $0x0  }
0x24: {  	s3 =	sadd.s32 $0x88, s3;
	s6 =	simm.s32 @!p1 $0x1082;
	[sflag:s4] =	ssyncset.s32 $0xFFFFF086  }
0x25: {  	[simem:s6], [sflag:s4] =	dma.local [hbm:s3], $0xF7A  }
0x26: {  	[smem:$0x3F9E] =	sst s1;
	(tag) =	ssettag s2;
	_ =	strace s9  }
0x27: {  	s1 =	sld [smem:$0x3FAE]  }
0x28: {  	s2 =	sld [smem:$0x3FAF]  }
0x29: {  	s4 =	sld [smem:$0x3FB1]  }
0x2a: {  	p0 =	seq.s32 s5, $0x0;
	s5 =	sld [smem:$0x3FB2]  }
0x2b: {  	s6 =	sld [smem:$0x3FB3]  }
0x2c: {  	s7 =	sld [smem:$0x3FB4]  }
0x2d: {  	s3 =	simm.s32 $0x108;
	s8 =	sld [smem:$0x3FB5]  }
0x2e: {  	s3 =	simm.s32 @!p0 $0x1082;
	s9 =	sld [smem:$0x3FB6]  }
0x2f: {  	lr =	sadd.s32 s0, s3;
	s0 =	sld [smem:$0x3FAD]  }
0x30: {  	s3 =	sld [smem:$0x3FB0]  }
0x31: {  	[smem:$0x3FB9] =	sst s10  }
0x32: {  	s10 =	sld [smem:$0x3FB7];
	_ =	sdelay $0x3  }
0x33: {  	p0 =	seq.s32 s10, $0x1;
	s10 =	sld [smem:$0x3FB9];
	_ =	sdelay $0x3  }
0x34: {  	[smem:$0x3FB9] =	sst s10  }
0x35: {  	s10 =	sld [smem:$0x3FB8];
	_ =	sdelay $0x3  }
0x36: {  	p1 =	seq.s32 s10, $0x1;
	s10 =	sld [smem:$0x3FB9];
	_ =	sdelay $0x3  }
0x37: {  	[smem:$0x3FB9] =	sst s10  }
0x38: {  	s10 =	sld [smem:$0x3FBA]  }
0x39: {  	_ = 	snop;
	(pc) =	sbr.ind lr, $3  }
0x3a: {  	_ = 	snop  }
0x3b: {  	_ = 	snop  }
0x3c: {  	p2 =	seq.s32 s10, $0x1;
	s10 =	sld [smem:$0x3FB9]  }
0x3d: {  	_ =	shalt  }
0x3e: {  	_ =	shalt  }
0x3f: {  	_ =	shalt  }
0x40: {  	_ =	shalt  }
0x41: {  	_ =	shalt  }
0x42: {  	_ =	shalt  }
0x43: {  	_ =	shalt  }
0x44: {  	_ =	shalt  }
0x45: {  	_ =	shalt  }
0x46: {  	_ =	shalt  }
0x47: {  	_ =	shalt  }
0x48: {  	_ =	shalt  }
0x49: {  	_ =	shalt  }
0x4a: {  	_ =	shalt  }
0x4b: {  	_ =	shalt  }
0x4c: {  	_ =	shalt  }
0x4d: {  	_ =	shalt  }
0x4e: {  	_ =	shalt  }
0x4f: {  	_ =	shalt  }
0x50: {  	_ =	shalt  }
0x51: {  	_ =	shalt  }
0x52: {  	_ =	shalt  }
0x53: {  	_ =	shalt  }
0x54: {  	_ =	shalt  }
0x55: {  	_ =	shalt  }
0x56: {  	_ =	shalt  }
0x57: {  	_ =	shalt  }
0x58: {  	_ =	shalt  }
0x59: {  	_ =	shalt  }
0x5a: {  	_ =	shalt  }
0x5b: {  	_ =	shalt  }
0x5c: {  	_ =	shalt  }
0x5d: {  	_ =	shalt  }
0x5e: {  	_ =	shalt  }
0x5f: {  	_ =	shalt  }
0x60: {  	_ =	shalt  }
0x61: {  	_ =	shalt  }
0x62: {  	_ =	shalt  }
0x63: {  	_ =	shalt  }
0x64: {  	_ =	shalt  }
0x65: {  	_ =	shalt  }
0x66: {  	_ =	shalt  }
0x67: {  	_ =	shalt  }
0x68: {  	_ =	shalt  }
0x69: {  	_ =	shalt  }
0x6a: {  	_ =	shalt  }
0x6b: {  	_ =	shalt  }
0x6c: {  	_ =	shalt  }
0x6d: {  	_ =	shalt  }
0x6e: {  	_ =	shalt  }
0x6f: {  	_ =	shalt  }
0x70: {  	_ =	shalt  }
0x71: {  	_ =	shalt  }
0x72: {  	_ =	shalt  }
0x73: {  	_ =	shalt  }
0x74: {  	_ =	shalt  }
0x75: {  	_ =	shalt  }
0x76: {  	_ =	shalt  }
0x77: {  	_ =	shalt  }
0x78: {  	_ =	shalt  }
0x79: {  	_ =	shalt  }
0x7a: {  	_ =	shalt  }
0x7b: {  	_ =	shalt  }
0x7c: {  	_ =	shalt  }
0x7d: {  	_ =	shalt  }
0x7e: {  	_ =	shalt  }
0x7f: {  	_ =	shalt  }
0x80: {  	_ =	shalt  }
0x81: {  	_ =	shalt  }
0x82: {  	_ =	shalt  }
0x83: {  	_ =	shalt  }
0x84: {  	_ =	shalt  }
0x85: {  	_ =	shalt  }
0x86: {  	_ =	shalt  }
0x87: {  	_ =	shalt  }
.Lfunc_end0:
.L_simem_size_0:
called_computation_lowered:
.L_overlay_start_0:
0x88: {  	s2 =	sld [smem:$0x3FD9]  }
0x89: {  	s3 =	sld [smem:$0x3FFE];
	_ =	sdelay $0x1  }
0x8a: {  	s1 =	srdreg.scid  }
0x8b: {  	s0 =	sand.u32 $0x1, s1  }
0x8c: {  	s17 =	sshll.u32 s0, $0xA;
	s2 =	sadd.s32 s3, s2  }
0x8d: {  	s2 =	sadd.s32 s2, s17  }
0x8e: {  	[smem:$0x3FC5] =	sst s2  }
0x8f: {  	_ = 	snop  }
0x90: {  	s2 =	sld [smem:$0x3FC9]  }
0x91: {  	s18 =	sld [smem:$0x3FD0];
	(tm) =	ssettm $0x1  }
0x92: {  	s4 =	sld [smem:$0x3FFB];
	_ =	sdelay $0x3  }
0x93: {  	_ =	strace s4  }
0x94: {  	s4 =	sld [smem:$0x3FFC];
	_ =	sdelay $0x3  }
0x95: {  	_ =	strace s4  }
0x96: {  	s4 =	sld [smem:$0x3FFD];
	_ =	sdelay $0x3  }
0x97: {  	_ =	strace s4  }
0x98: {  	_ =	strace $0x8FFFFFFF  }
0x99: {  	s19 =	sld [smem:$0x3FDB];
	_ =	sdelay $0x1  }
0x9a: {  	s5 =	simm.s32 $_scs_section_size  }
0x9b: {  	s6 =	simm.s32 $_size__tile_overlayer_lowered;
	s7 =	simm.s32 $_tile_overlayer_lowered  }
0x9c: {  	s22 =	simm.s32 $0x1BFF;
	s21 =	sshll.u32 s7, $0x1;
	s4 =	sadd.s32 s5, s19  }
0x9d: {  	s8 =	simm.s32 $0x0;
	s20 =	sshll.u32 s6, $0x1;
	s6 =	sadd.s32 s21, s4  }
0x9e: {  	[timem:s8], [sflag:s22] =	dma.local [hbm:s6], s20  }
0x9f: {  	_ =	swait.ge [sflag:s22], s20  }
0xa0: {  	s5 =	ssub.s32 $0x0, s20;
	[sflag:s22] =	ssyncset.done $0x0  }
0xa1: {  	[sflag:s22] =	ssyncadd.s32 s5;
	_ =	sdelay $0x1  }
0xa2: {  	s23 =	simm.s32 $0x1B8B  }
0xa3: {  	_ =	swait.ge [sflag:s23], $0x1  }
0xa4: {  	[sflag:s23] =	ssyncset.done $0x0  }
0xa5: {  	s25 =	simm.s32 $0x1B8E;
	s24 =	sld [smem:$0x3FFE];
	[sflag:s23] =	ssyncadd.s32 $0xFFFFFFFF  }
0xa6: {  	s26 =	simm.s32 $execute0_lowered;
	[smem:$0x3FD2] =	sst s25  }
0xa7: {  	s6 =	sshll.u32 s26, $0x1;
	_ =	strace $0x80000046;
	[dreg:$0x1] =	wrdreg $0xFFFFFFFF  }
0xa8: {  	s28 =	simm.s32 $_size_execute0_lowered;
	s4 =	sadd.s32 s4, s6;
	[dreg:$0x0] =	wrdreg $0x0  }
0xa9: {  	s6 =	sshll.u32 s28, $0x1;
	[dreg:$0x2] =	wrdreg s4  }
0xaa: {  	[dreg:$0x3] =	wrdreg s6  }
0xab: {  	[dreg:$0x4] =	wrdreg $0xC0  }
0xac: {  	_ =	task [dreg:s8], $0x5FFFF  }
0xad: {  	[dreg:$0x1] =	wrdreg $0xFFFFFFFF  }
0xae: {  	[dreg:$0x0] =	wrdreg $0x60  }
0xaf: {  	[dreg:$0x2] =	wrdreg s2  }
0xb0: {  	[dreg:$0x3] =	wrdreg s24  }
0xb1: {  	[dreg:$0x4] =	wrdreg s18  }
0xb2: {  	[dreg:$0x5] =	wrdreg $0xC6000  }
0xb3: {  	[dreg:$0x6] =	wrdreg $0x9  }
0xb4: {  	_ =	task.clear_ibuf [dreg:s8], $0x7FFFF;
	_ =	strace $0x90000046  }
0xb5: {  	s29 =	simm.s32 $0x9;
	_ =	strace $0x80000048  }
0xb6: {  	_ =	swait.ge [sflag:s29], $0x1  }
0xb7: {  	[sflag:s29] =	ssyncadd.s32 $0xFFFFFFFF  }
0xb8: {  	_ =	strace $0x90000048  }
0xb9: {  	_ =	sfence  }
0xba: {  	s30 =	sld [smem:$0x0];
	_ =	sdelay $0x2  }
0xbb: {  	s31 =	sshll.u32 s1, $0xD;
	s1 =	sshrl.u32 s1, $0x2  }
0xbc: {  	s3 =	sand.u32 $0x4000, s31;
	s1 =	sadd.s32 s1, s30  }
0xbd: {  	s0 =	sor.u32 s3, s0;
	s1 =	sshll.u32 s1, $0x11  }
0xbe: {  	s0 =	sor.u32 s1, s0  }
0xbf: {  	s0 =	sadd.s32 $0x8F2B, s0  }
0xc0: {  	[sflag:s0] =	ssyncadd.remote.s32 $0x1  }
0xc1: {  	_ =	sfence.sel $0xFFFF  }
0xc2: {  	[dreg:$0x0] =	wrdreg $0xFFFFFFFF;
	(pc) =	sbr.abs _section_cstart, $3  }
0xc3: {  	[dreg:$0x1] =	wrdreg $0xFFFFFFFF  }
0xc4: {  	_ =	task.clear_ibuf [dreg:s8], $0x2FFFF;
	_ =	strace $0x9FFFFFFF  }
0xc5: {  	(tm) =	ssettm $0x7FFFFFFF  }
tec
execute0_lowered:
.L_overlay_start_1:
0x0: {  	(tag) =	ssettag $0x1  }
0x1: {  	s1 =	rddreg [dreg:$0x0]  }
0x2: {  	s0 =	rddreg [dreg:$0x1]  }
0x3: {  	s2 =	rddreg [dreg:$0x2]  }
0x4: {  	s3 =	rddreg [dreg:$0x3];
	s5 =	simm.s32 $0x0;
	s4 =	srdreg.scid  }
0x5: {  	s14 =	stileid.u32;
	s28 =	simm.s32 $0x4;
	s29 =	simm.s32 $0xB  }
0x6: {  	s30 =	simm.s32 $0x3;
	s31 =	simm.s32 $0x5;
	[smem:$0x7FF] =	sst s5  }
0x7: {  	s6 =	sadd.s32 $0xAC00, s0;
	s4 =	sand.u32 $0x1, s4;
	s8 =	smul.u32 $0x4F000, s14  }
0x8: {  	s7 =	sadd.s32 $0xA00, s0;
	s0 =	sadd.s32 $0x14E00, s0;
	s12 =	smul.u32 $0x13C00, s14  }
0x9: {  	_ =	strace $0x80000047;
	s9 =	sshll.u32 s4, $0x4;
	s8 =	sshrl.u32 s8, $0x2  }
0xa: {  	s10 =	ssub.s32 $0x2, s4;
	s4 =	smul.u32 $0x138800, s4;
	s16 =	sadd.s32 s8, s3  }
0xb: {  	s9 =	sor.u32 s14, s9;
	s18 =	sadd.s32 $0x4000, s16;
	[dreg:$0x5] =	wrdreg s16  }
0xc: {  	s9 =	smul.u32 $0x2880, s9;
	s19 =	sadd.s32 $0x8000, s16;
	[dreg:$0x6] =	wrdreg s18  }
0xd: {  	s12 =	sadd.s32 s12, s4;
	s20 =	sadd.s32 $0xC000, s16;
	[dreg:$0x7] =	wrdreg s19  }
0xe: {  	s12 =	sshrl.u32 s12, $0x3;
	[dreg:$0x8] =	wrdreg s20;
	s26 =	sadd.s32 $0x100, s9  }
0xf: {  	p0 =	seq.s32 s14, $0xF;
	s12 =	sadd.s32 s0, s12;
	[dreg:$0xe] =	wrdreg s26  }
0x10: {  	s11 =	sshrl.u32 s10, $0x1;
	s20 =	sadd.s32 $0x12C400, s3;
	[dreg:$0xf] =	wrdreg s12  }
0x11: {  	s21 =	sshrl.u32 s9, $0x3;
	s18 =	sadd.s32 $0x128400, s3;
	[dreg:$0x15] =	wrdreg s20  }
0x12: {  	s8 =	ssub.s32 s10, s11;
	s13 =	sadd.s32 s6, s21;
	[dreg:$0x9] =	wrdreg s18  }
0x13: {  	s4 =	sshrl.u32 s4, $0x3;
	s23 =	sadd.s32 s7, s21;
	[dreg:$0xa] =	wrdreg s13  }
0x14: {  	s0 =	sadd.s32 s0, s4;
	s17 =	sadd.s32 s2, s21;
	[dreg:$0xb] =	wrdreg s23  }
0x15: {  	s10 =	simm.s32 $0x80;
	s0 =	sadd.s32 $0x25080, s0;
	[dreg:$0x12] =	wrdreg s17  }
0x16: {  	s22 =	sadd.s32 $0x10, s21;
	s21 =	smax.u32 s8, $0x1;
	[dreg:$0x14] =	wrdreg s0  }
0x17: {  	s11 =	simm.s32 $0x100;
	s24 =	sadd.s32 s6, s22;
	[dreg:$0x16] =	wrdreg s21  }
0x18: {  	s4 =	simm.s32 $0x400;
	s25 =	sadd.s32 s7, s22;
	[dreg:$0xc] =	wrdreg s24  }
0x19: {  	s20 =	simm.s32 $0x4600;
	s19 =	sadd.s32 s2, s22;
	[dreg:$0xd] =	wrdreg s25  }
0x1a: {  	s13 =	sshrl.u32 s26, $0x3;
	s22 =	sadd.s32 $0x130400, s3;
	[dreg:$0x13] =	wrdreg s19  }
0x1b: {  	s23 =	sadd.s32 $0x134400, s3;
	s26 =	sadd.s32 $0x280, s9;
	[dreg:$0x17] =	wrdreg s22  }
0x1c: {  	s17 =	simm.s32 $0x8;
	s21 =	simm.s32 $0x1;
	[dreg:$0x18] =	wrdreg s23  }
0x1d: {  	s12 =	sadd.s32 s6, s13;
	s15 =	sadd.s32 s7, s13;
	[dreg:$0x1b] =	wrdreg s26  }
.Ltmp0:
0x1e: {  	s24 =	sadd.s32 $0x10000, s16;
	[dreg:$0x10] =	wrdreg s12;
	(pc) =	sbr.rel .LBB2_1-.Ltmp0, $4  }
0x1f: {  	s25 =	sadd.s32 $0x138400, s3;
	s22 =	simm.s32 $0xA;
	[dreg:$0x11] =	wrdreg s15  }
0x20: {  	s23 =	simm.s32 $0x300;
	s26 =	simm.s32 $0x2;
	[dreg:$0x19] =	wrdreg s24  }
0x21: {  	s13 =	simm.s32 $0xC;
	[dreg:$0x1a] =	wrdreg s25;
	s15 =	simm.s32 $0x280  }
0x22: {  	v0 =	vimm.f32 $0.0e+00;
	s24 =	simm.s32 $0x9;
	s25 =	simm.s32 $0x8600;
	s12 =	simm.s32 $0x0  }
.LBB2_12:
0x23: {  	s0 =	simm.s32 $0x6  }
0x24: {  	_ =	swait.ge [sflag:s0], $0x4000  }
0x25: {  	[sflag:s0] =	ssyncset.done $0x0  }
0x26: {  	[sflag:s0] =	ssyncadd.s32 $0xFFFFC000  }
0x27: {  	[bflag:$0x0] =	sbarrier.arrive $0xFFFF  }
0x28: {  	s18 =	rddreg [dreg:$0x9]  }
0x29: {  	s8 =	simm.s32 @p0 $0x1FCD;
	s12 =	rddreg [dreg:$0x14];
	s0 =	sshrl.u32 @p0 s18, $0x3  }
0x2a: {  	[hbm:s12], [sflag:s8] =	dma.local @p0 [spmem:s0], $0x2080  }
0x2b: {  	s0 =	simm.s32 @p0 $0xD  }
0x2c: {  	_ =	swait.ge @p0 [sflag:s0], $0x2080  }
0x2d: {  	s8 =	stileid.u32;
	s16 =	rddreg [dreg:$0x5]  }
0x2e: {  	s8 =	sshll.u32 @!p0 s8, $0x6;
	[sflag:s0] =	ssyncset.done @p0 $0x0;
	s12 =	rddreg [dreg:$0xf]  }
0x2f: {  	[sflag:s0] =	ssyncadd.s32 @p0 $0xFFFFDF80;
	s0 =	sor.u32 @!p0 $0x1C0D, s8;
	s8 =	sshrl.u32 @!p0 s16, $0x3  }
0x30: {  	[hbm:s12], [sflag:s0] =	dma.local @!p0 [spmem:s8], $0x2780  }
0x31: {  	s0 =	simm.s32 @!p0 $0xD  }
0x32: {  	_ =	swait.ge @!p0 [sflag:s0], $0x2780  }
0x33: {  	s14 =	rddreg [dreg:$0x1c]  }
0x34: {  	s19 =	rddreg [dreg:$0x16];
	s12 =	sadd.s32 $0x1, s14  }
0x35: {  	p1 =	sne.s32 s12, s19  }
.Ltmp1:
0x36: {  	_ = 	snop;
	(pc) =	sbr.rel @!p1 .LBB2_13-.Ltmp1, $3  }
0x37: {  	_ =	sdelay $0x1  }
0x38: {  	[sflag:s0] =	ssyncset.done @!p0 $0x0  }
0x39: {  	[sflag:s0] =	ssyncadd.s32 @!p0 $0xFFFFD880  }
.LBB2_1:
0x3a: {  	[dreg:$0x1c] =	wrdreg s12;
	s0 =	simm.s32 $0x0;
	s8 =	simm.s32 $0x200  }
.LBB2_2:
0x3b: {  	p1 =	sne.s32 s8, $0xFE00;
	[tilespmem:s0+$0x670] =	vst v0  }
0x3c: {  	[tilespmem:s0+$0x600] =	vst v0  }
0x3d: {  	[tilespmem:s0+$0x610] =	vst v0  }
.Ltmp2:
0x3e: {  	[tilespmem:s0+$0x620] =	vst v0;
	(pc) =	sbr.rel @p1 .LBB2_2-.Ltmp2, $4  }
0x3f: {  	[tilespmem:s0+$0x630] =	vst v0  }
0x40: {  	[tilespmem:s0+$0x640] =	vst v0  }
0x41: {  	[tilespmem:s0+$0x650] =	vst v0  }
0x42: {  	[tilespmem:s0+$0x660] =	vst v0;
	s0 =	sshra.s32 s8, $0x2;
	s8 =	sadd.s32 $0x200, s8  }
0x43: {  	[tilespmem:s0+$0x670] =	vst v0  }
0x44: {  	[tilespmem:s0+$0x600] =	vst v0  }
0x45: {  	[tilespmem:s0+$0x610] =	vst v0  }
0x46: {  	[tilespmem:s0+$0x620] =	vst v0  }
0x47: {  	[tilespmem:s0+$0x630] =	vst v0  }
0x48: {  	[tilespmem:s0+$0x640] =	vst v0  }
0x49: {  	[tilespmem:s0+$0x650] =	vst v0  }
0x4a: {  	[tilespmem:s0+$0x660] =	vst v0;
	s0 =	simm.s32 @p0 $0x600;
	s8 =	simm.s32 @p0 $0xD  }
0x4b: {  	[spmem:s18] =	stream.linear.scatter @p0 [tilespmem:s0], [sflag:$0xD], $0x4000, $0x38;
	[tilespmem:$0x1FE80] =	vst v63  }
0x4c: {  	_ =	swait.ge @p0 [sflag:s8], $0x4000  }
0x4d: {  	[sflag:s8] =	ssyncset.done @p0 $0x0  }
0x4e: {  	s12 =	rddreg [dreg:$0x15];
	[sflag:s8] =	ssyncadd.s32 @p0 $0xFFFFC000  }
0x4f: {  	[spmem:s12] =	stream.linear.scatter @p0 [tilespmem:s0], [sflag:$0xD], $0x4000, $0x38;
	[tilespmem:$0x1FE80] =	vst v63  }
0x50: {  	_ =	swait.ge @p0 [sflag:s8], $0x4000  }
0x51: {  	[sflag:s8] =	ssyncset.done @p0 $0x0  }
0x52: {  	s12 =	rddreg [dreg:$0x17];
	[sflag:s8] =	ssyncadd.s32 @p0 $0xFFFFC000  }
0x53: {  	[spmem:s12] =	stream.linear.scatter @p0 [tilespmem:s0], [sflag:$0xD], $0x4000, $0x38;
	[tilespmem:$0x1FE80] =	vst v63  }
0x54: {  	_ =	swait.ge @p0 [sflag:s8], $0x4000  }
0x55: {  	[sflag:s8] =	ssyncset.done @p0 $0x0  }
0x56: {  	s12 =	rddreg [dreg:$0x18];
	[sflag:s8] =	ssyncadd.s32 @p0 $0xFFFFC000  }
0x57: {  	[spmem:s12] =	stream.linear.scatter @p0 [tilespmem:s0], [sflag:$0xD], $0x4000, $0x38;
	[tilespmem:$0x1FE80] =	vst v63  }
0x58: {  	_ =	swait.ge @p0 [sflag:s8], $0x4000  }
0x59: {  	[sflag:s8] =	ssyncset.done @p0 $0x0  }
0x5a: {  	s12 =	rddreg [dreg:$0x1a];
	[sflag:s8] =	ssyncadd.s32 @p0 $0xFFFFC000  }
0x5b: {  	[spmem:s12] =	stream.linear.scatter @p0 [tilespmem:s0], [sflag:$0xD], $0x400, $0x38;
	[tilespmem:$0x1FE80] =	vst v63  }
0x5c: {  	_ =	swait.ge @p0 [sflag:s8], $0x400  }
0x5d: {  	[sflag:s8] =	ssyncset.done @p0 $0x0  }
0x5e: {  	s0 =	simm.s32 @!p0 $0x600;
	[sflag:s8] =	ssyncadd.s32 @p0 $0xFFFFFC00;
	s8 =	simm.s32 @!p0 $0xD  }
0x5f: {  	[spmem:s16] =	stream.linear.scatter @!p0 [tilespmem:s0], [sflag:$0xD], $0x4000, $0x38;
	[tilespmem:$0x1FE80] =	vst v63  }
0x60: {  	_ =	swait.ge @!p0 [sflag:s8], $0x4000  }
0x61: {  	[sflag:s8] =	ssyncset.done @!p0 $0x0  }
0x62: {  	s12 =	rddreg [dreg:$0x6];
	[sflag:s8] =	ssyncadd.s32 @!p0 $0xFFFFC000  }
0x63: {  	[spmem:s12] =	stream.linear.scatter @!p0 [tilespmem:s0], [sflag:$0xD], $0x4000, $0x38;
	[tilespmem:$0x1FE80] =	vst v63  }
0x64: {  	_ =	swait.ge @!p0 [sflag:s8], $0x4000  }
0x65: {  	[sflag:s8] =	ssyncset.done @!p0 $0x0  }
0x66: {  	s12 =	rddreg [dreg:$0x7];
	[sflag:s8] =	ssyncadd.s32 @!p0 $0xFFFFC000  }
0x67: {  	[spmem:s12] =	stream.linear.scatter @!p0 [tilespmem:s0], [sflag:$0xD], $0x4000, $0x38;
	[tilespmem:$0x1FE80] =	vst v63  }
0x68: {  	_ =	swait.ge @!p0 [sflag:s8], $0x4000  }
0x69: {  	[sflag:s8] =	ssyncset.done @!p0 $0x0  }
0x6a: {  	s12 =	rddreg [dreg:$0x8];
	[sflag:s8] =	ssyncadd.s32 @!p0 $0xFFFFC000  }
0x6b: {  	[spmem:s12] =	stream.linear.scatter @!p0 [tilespmem:s0], [sflag:$0xD], $0x4000, $0x38;
	[tilespmem:$0x1FE80] =	vst v63  }
0x6c: {  	_ =	swait.ge @!p0 [sflag:s8], $0x4000  }
0x6d: {  	[sflag:s8] =	ssyncset.done @!p0 $0x0  }
0x6e: {  	s12 =	rddreg [dreg:$0x19];
	[sflag:s8] =	ssyncadd.s32 @!p0 $0xFFFFC000  }
0x6f: {  	[spmem:s12] =	stream.linear.scatter @!p0 [tilespmem:s0], [sflag:$0xD], $0x3C00, $0x38;
	[tilespmem:$0x1FE80] =	vst v63  }
0x70: {  	_ =	swait.ge @!p0 [sflag:s8], $0x3C00  }
0x71: {  	[sflag:s8] =	ssyncset.done @!p0 $0x0  }
0x72: {  	s12 =	simm.s32 $0x0;
	s16 =	rddreg [dreg:$0xa];
	[sflag:s8] =	ssyncadd.s32 @!p0 $0xFFFFC400  }
0x73: {  	[tilespmem:s12], [sflag:$0x7] =	stream.linear.gather [hbm4b:s16+s12], $0x80, $0x38;
	[tilespmem:$0x1FE80] =	vst v63  }
0x74: {  	s18 =	rddreg [dreg:$0xb]  }
0x75: {  	[tilespmem:s4], [sflag:$0x7] =	stream.linear.gather [hbm4b:s18+s12], $0x80, $0x38;
	[tilespmem:$0x1FE80] =	vst v63  }
0x76: {  	s19 =	rddreg [dreg:$0xc]  }
0x77: {  	[tilespmem:s10], [sflag:$0x8] =	stream.linear.gather [hbm4b:s19+s12], $0x80, $0x38;
	[tilespmem:$0x1FE80] =	vst v63  }
0x78: {  	s14 =	simm.s32 $0x480;
	s8 =	rddreg [dreg:$0xd]  }
0x79: {  	[tilespmem:s14], [sflag:$0x8] =	stream.linear.gather [hbm4b:s8+s12], $0x80, $0x38;
	[tilespmem:$0x1FE80] =	vst v63  }
0x7a: {  	s16 =	rddreg [dreg:$0x10]  }
0x7b: {  	[tilespmem:s11], [sflag:$0x9] =	stream.linear.gather [hbm4b:s16+s12], $0x80, $0x38;
	[tilespmem:$0x1FE80] =	vst v63  }
0x7c: {  	s18 =	rddreg [dreg:$0x11];
	s19 =	simm.s32 $0x500  }
0x7d: {  	[tilespmem:s19], [sflag:$0x9] =	stream.linear.gather [hbm4b:s18+s12], $0x80, $0x38;
	[tilespmem:$0x1FE80] =	vst v63  }
0x7e: {  	s8 =	rddreg [dreg:$0x12];
	s14 =	simm.s32 $0x200  }
0x7f: {  	[tilespmem:s14], [sflag:$0xA] =	stream.linear.gather [hbm4b:s8+s12], $0x80, $0x38;
	[tilespmem:$0x1FE80] =	vst v63  }
0x80: {  	s16 =	rddreg [dreg:$0x13]  }
0x81: {  	[tilespmem:s15], [sflag:$0xB] =	stream.linear.gather [hbm4b:s16+s12], $0x80, $0x38;
	[tilespmem:$0x1FE80] =	vst v63  }
0x82: {  	s18 =	simm.s32 $0x7;
	[bflag:$0x0] =	sbarrier.arrive $0xFFFF  }
0x83: {  	_ =	swait.ge [sflag:s18], $0x80  }
0x84: {  	[sflag:s18] =	ssyncset.done $0x0  }
0x85: {  	[sflag:s18] =	ssyncadd.s32 $0xFFFFFF80  }
0x86: {  	_ =	swait.ge [sflag:s18], $0x80  }
0x87: {  	[sflag:s18] =	ssyncset.done $0x0  }
0x88: {  	[sflag:s18] =	ssyncadd.s32 $0xFFFFFF80  }
0x89: {  	_ =	swait.ge [sflag:s17], $0x80  }
0x8a: {  	[sflag:s17] =	ssyncset.done $0x0  }
0x8b: {  	[sflag:s17] =	ssyncadd.s32 $0xFFFFFF80  }
0x8c: {  	_ =	swait.ge [sflag:s17], $0x80  }
0x8d: {  	[sflag:s17] =	ssyncset.done $0x0  }
0x8e: {  	s19 =	simm.s32 $0x600;
	[sflag:s17] =	ssyncadd.s32 $0xFFFFFF80  }
0x8f: {  	[tilespmem:s19], [sflag:$0x1] =	stream.indirect.gather [hbm4b:s1+s10], $0x80, s12, s10, $0xb8;
	[tilespmem:$0x1FE80] =	vst v63  }
0x90: {  	s8 =	simm.s32 $0x0  }
0x91: {  	[tilespmem:s20], [sflag:$0x2] =	stream.indirect.gather [hbm4b:s1+s10], $0x80, s10, s10, $0xb8;
	[tilespmem:$0x1FE80] =	vst v63  }
.LBB2_4:
0x92: {  	s0 =	simm.s32 $0x0  }
0x93: {  	s12 =	simm.s32 $0x2;
	v1 =	vmov s0  }
0x94: {  	_ =	swait.ge [sflag:s21], $0x4000;
	v2 =	vmov s12;
	v1 =	vand.u32 $0xFFFFFFFC, v1  }
0x95: {  	[sflag:s21] =	ssyncset.done $0x0;
	v2 =	vand.u32 $0xFFFFFFFE, v2;
	v1 =	vbroadcast v1, $0x0  }
0x96: {  	s12 =	simm.s32 $0x700;
	[sflag:s21] =	ssyncadd.s32 $0xFFFFC000;
	v2 =	vbroadcast v2, $0x0  }
0x97: {  	v4 =	vld [tilespmem:s12+$0x70]  }
0x98: {  	v5 =	vld [tilespmem:s12+$0xFFFFFF00]  }
0x99: {  	s14 =	simm.s32 $0x1;
	v6 =	vld [tilespmem:s12+$0xFFFFFF10]  }
0x9a: {  	v3 =	vmov s14;
	v7 =	vld [tilespmem:s12+$0xFFFFFF20]  }
0x9b: {  	v3 =	vand.u32 $0xFFFFFFFD, v3;
	v1 =	vld.idx.msk [tilespmem:v1+s4+$0x0], $0xffff  }
0x9c: {  	v3 =	vbroadcast v3, $0x0;
	v2 =	vld.idx.msk [tilespmem:v2+s4+$0x0], $0xffff  }
0x9d: {  	v8 =	vld [tilespmem:s12+$0xFFFFFF30]  }
0x9e: {  	v9 =	vld [tilespmem:s12+$0xFFFFFF40]  }
0x9f: {  	v10 =	vld [tilespmem:s12+$0xFFFFFF50]  }
0xa0: {  	v11 =	vld [tilespmem:s12+$0xFFFFFF60];
	v5 =	vmul.f32 v5, v1  }
0xa1: {  	v13 =	vld [tilespmem:s12+$0x40];
	v4 =	vmul.f32 v4, v2  }
0xa2: {  	v3 =	vld.idx.msk [tilespmem:v3+s4+$0x0], $0xffff;
	[tilespmem:s12+$0xFFFFFF00] =	vst v5;
	v5 =	vmul.f32 v6, v1  }
0xa3: {  	v6 =	vld [tilespmem:s12+$0xFFFFFF70];
	[tilespmem:s12+$0x70] =	vst v4;
	v4 =	vmul.f32 v7, v1  }
0xa4: {  	v7 =	vld [tilespmem:s12+$0xFFFFFF80];
	[tilespmem:s12+$0xFFFFFF10] =	vst v5;
	v5 =	vmul.f32 v8, v1  }
0xa5: {  	v8 =	vld [tilespmem:s12+$0xFFFFFF90];
	[tilespmem:s12+$0xFFFFFF20] =	vst v4;
	v4 =	vmul.f32 v9, v1  }
0xa6: {  	v9 =	vld [tilespmem:s12+$0xFFFFFFA0];
	[tilespmem:s12+$0xFFFFFF30] =	vst v5;
	v5 =	vmul.f32 v10, v1  }
0xa7: {  	v10 =	vld [tilespmem:s12+$0xFFFFFFB0];
	[tilespmem:s12+$0xFFFFFF40] =	vst v4;
	v4 =	vmul.f32 v11, v1  }
0xa8: {  	v11 =	vld [tilespmem:s12+$0xFFFFFFC0];
	v6 =	vmul.f32 v6, v1;
	[tilespmem:s12+$0xFFFFFF50] =	vst v5  }
0xa9: {  	v5 =	vmul.f32 v7, v3;
	v7 =	vld [tilespmem:s12+$0xFFFFFFD0];
	[tilespmem:s12+$0xFFFFFF60] =	vst v4  }
0xaa: {  	s16 =	simm.s32 $0x3;
	v4 =	vld [tilespmem:s12+$0xFFFFFFE0];
	v8 =	vmul.f32 v8, v3;
	[tilespmem:s12+$0xFFFFFF70] =	vst v6  }
0xab: {  	v12 =	vmov s16;
	v6 =	vld [tilespmem:s12+$0xFFFFFFF0];
	[tilespmem:s12+$0xFFFFFF80] =	vst v5;
	v5 =	vmul.f32 v9, v3  }
0xac: {  	v9 =	vld [tilespmem:s12+$0x0];
	[tilespmem:s12+$0xFFFFFF90] =	vst v8;
	v8 =	vmul.f32 v10, v3  }
0xad: {  	v10 =	vld [tilespmem:s12+$0x10];
	[tilespmem:s12+$0xFFFFFFA0] =	vst v5;
	v5 =	vmul.f32 v11, v3  }
0xae: {  	[tilespmem:s12+$0xFFFFFFB0] =	vst v8;
	v7 =	vmul.f32 v7, v3;
	v8 =	vld [tilespmem:s12+$0x20]  }
0xaf: {  	v11 =	vld [tilespmem:s12+$0x30];
	v4 =	vmul.f32 v4, v3;
	[tilespmem:s12+$0xFFFFFFC0] =	vst v5  }
0xb0: {  	v1 =	vld.idx.msk [tilespmem:v12+s4+$0x0], $0xffff;
	v3 =	vmul.f32 v6, v3;
	[tilespmem:s12+$0xFFFFFFD0] =	vst v7  }
0xb1: {  	[tilespmem:s12+$0xFFFFFFE0] =	vst v4;
	v5 =	vmul.f32 v9, v2;
	v4 =	vld [tilespmem:s12+$0x50]  }
0xb2: {  	s18 =	simm.s32 $0x4;
	[tilespmem:s12+$0xFFFFFFF0] =	vst v3;
	v6 =	vmul.f32 v10, v2;
	v3 =	vld [tilespmem:s12+$0x60]  }
0xb3: {  	s19 =	simm.s32 $0x7;
	v7 =	vmov s18;
	[tilespmem:s12+$0x0] =	vst v5;
	v9 =	vmul.f32 v8, v2;
	v8 =	vld [tilespmem:s12+$0x80]  }
0xb4: {  	s14 =	simm.s32 $0x5;
	v12 =	vand.u32 $0xFFFFFFFC, v7;
	v7 =	vld [tilespmem:s12+$0x90];
	v5 =	vmov s19;
	v10 =	vmul.f32 v11, v2;
	[tilespmem:s12+$0x10] =	vst v6  }
0xb5: {  	s16 =	simm.s32 $0x6;
	s0 =	simm.s32 $0x8;
	v11 =	vmul.f32 v13, v2;
	v6 =	vbroadcast v12, $0x0;
	v12 =	vmov s14;
	s14 =	simm.s32 $0x700;
	[tilespmem:s12+$0x20] =	vst v9;
	v9 =	vld [tilespmem:s12+$0xA0]  }
.LBB2_5:
0xb6: {  	p1 =	slt.u32 s0, $0x7C;
	v12 =	vand.u32 $0xFFFFFFFD, v12;
	v13 =	vmov s16;
	[tilespmem:s12+$0x30] =	vst v10;
	v4 =	vmul.f32 v4, v2;
	v10 =	vld [tilespmem:s12+$0xB0]  }
0xb7: {  	v12 =	vbroadcast v12, $0x0;
	v13 =	vand.u32 $0xFFFFFFFE, v13;
	[tilespmem:s12+$0x40] =	vst v11;
	v2 =	vmul.f32 v3, v2;
	v3 =	vld [tilespmem:s12+$0xC0]  }
0xb8: {  	v11 =	vbroadcast v13, $0x0;
	[tilespmem:s12+$0x50] =	vst v4;
	v4 =	vmul.f32 v8, v1;
	v8 =	vld [tilespmem:s12+$0xD0]  }
0xb9: {  	[tilespmem:s12+$0x60] =	vst v2;
	v2 =	vmul.f32 v7, v1;
	v7 =	vld [tilespmem:s12+$0xE0]  }
0xba: {  	[tilespmem:s12+$0x80] =	vst v4;
	v4 =	vmul.f32 v9, v1;
	v9 =	vld [tilespmem:s12+$0xF0]  }
0xbb: {  	v5 =	vld.idx.msk [tilespmem:v5+s4+$0x0], $0xffff;
	[tilespmem:s12+$0x90] =	vst v2;
	v2 =	vmul.f32 v10, v1  }
0xbc: {  	v6 =	vld.idx.msk [tilespmem:v6+s4+$0x0], $0xffff;
	[tilespmem:s12+$0xA0] =	vst v4;
	v3 =	vmul.f32 v3, v1  }
0xbd: {  	v4 =	vld.idx.msk [tilespmem:v12+s4+$0x0], $0xffff;
	[tilespmem:s12+$0xB0] =	vst v2;
	v8 =	vmul.f32 v8, v1  }
0xbe: {  	s12 =	sadd.s32 $0x200, s12;
	v2 =	vld.idx.msk [tilespmem:v11+s4+$0x0], $0xffff;
	[tilespmem:s14+$0xC0] =	vst v3;
	v3 =	vmul.f32 v7, v1  }
0xbf: {  	v7 =	vld [tilespmem:s12+$0x70];
	[tilespmem:s14+$0xD0] =	vst v8;
	v9 =	vmul.f32 v9, v1  }
0xc0: {  	v8 =	vld [tilespmem:s12+$0xFFFFFF00];
	[tilespmem:s14+$0xE0] =	vst v3  }
0xc1: {  	v1 =	vmov v5;
	v3 =	vld [tilespmem:s12+$0xFFFFFF10];
	[tilespmem:s14+$0xF0] =	vst v9;
	s14 =	smov.u32 s12  }
0xc2: {  	v5 =	vld [tilespmem:s12+$0xFFFFFF20]  }
0xc3: {  	v9 =	vld [tilespmem:s12+$0xFFFFFF30]  }
0xc4: {  	v10 =	vld [tilespmem:s12+$0xFFFFFF40];
	v7 =	vmul.f32 v7, v2  }
0xc5: {  	v8 =	vmul.f32 v8, v6;
	v11 =	vld [tilespmem:s12+$0xFFFFFF50]  }
0xc6: {  	v3 =	vmul.f32 v3, v6;
	v12 =	vld [tilespmem:s12+$0xFFFFFF60];
	[tilespmem:s12+$0x70] =	vst v7  }
0xc7: {  	[tilespmem:s12+$0xFFFFFF00] =	vst v8;
	v5 =	vmul.f32 v5, v6;
	v7 =	vld [tilespmem:s12+$0xFFFFFF70]  }
0xc8: {  	[tilespmem:s12+$0xFFFFFF10] =	vst v3;
	v3 =	vmul.f32 v9, v6;
	v8 =	vld [tilespmem:s12+$0xFFFFFF80]  }
0xc9: {  	[tilespmem:s12+$0xFFFFFF20] =	vst v5;
	v5 =	vmul.f32 v10, v6;
	v9 =	vld [tilespmem:s12+$0xFFFFFF90]  }
0xca: {  	[tilespmem:s12+$0xFFFFFF30] =	vst v3;
	v3 =	vmul.f32 v11, v6;
	v10 =	vld [tilespmem:s12+$0xFFFFFFA0]  }
0xcb: {  	[tilespmem:s12+$0xFFFFFF40] =	vst v5;
	v5 =	vmul.f32 v12, v6;
	v11 =	vld [tilespmem:s12+$0xFFFFFFB0]  }
0xcc: {  	[tilespmem:s12+$0xFFFFFF50] =	vst v3;
	v3 =	vmul.f32 v7, v6;
	v6 =	vld [tilespmem:s12+$0xFFFFFFC0]  }
0xcd: {  	[tilespmem:s12+$0xFFFFFF60] =	vst v5;
	v5 =	vmul.f32 v8, v4;
	v7 =	vld [tilespmem:s12+$0xFFFFFFD0]  }
0xce: {  	[tilespmem:s12+$0xFFFFFF70] =	vst v3;
	v3 =	vmul.f32 v9, v4;
	v8 =	vld [tilespmem:s12+$0xFFFFFFE0]  }
0xcf: {  	[tilespmem:s12+$0xFFFFFF80] =	vst v5;
	v5 =	vmul.f32 v10, v4;
	v9 =	vld [tilespmem:s12+$0xFFFFFFF0]  }
0xd0: {  	[tilespmem:s12+$0xFFFFFF90] =	vst v3;
	v3 =	vmul.f32 v11, v4;
	v10 =	vld [tilespmem:s12+$0x0]  }
0xd1: {  	[tilespmem:s12+$0xFFFFFFA0] =	vst v5;
	v5 =	vmul.f32 v6, v4;
	v6 =	vld [tilespmem:s12+$0x10]  }
0xd2: {  	[tilespmem:s12+$0xFFFFFFB0] =	vst v3;
	v3 =	vmul.f32 v7, v4;
	v7 =	vld [tilespmem:s12+$0x20]  }
0xd3: {  	[tilespmem:s12+$0xFFFFFFC0] =	vst v5;
	v5 =	vmul.f32 v8, v4;
	v11 =	vld [tilespmem:s12+$0x30]  }
0xd4: {  	[tilespmem:s12+$0xFFFFFFD0] =	vst v3;
	v3 =	vmul.f32 v9, v4;
	v9 =	vld [tilespmem:s12+$0x40]  }
.Ltmp3:
0xd5: {  	[tilespmem:s12+$0xFFFFFFE0] =	vst v5;
	v5 =	vmul.f32 v10, v2;
	v4 =	vld [tilespmem:s12+$0x50];
	(pc) =	sbr.rel @p1 .LBB2_5-.Ltmp3, $4  }
0xd6: {  	[tilespmem:s12+$0xFFFFFFF0] =	vst v3;
	v6 =	vmul.f32 v6, v2;
	v3 =	vld [tilespmem:s12+$0x60]  }
0xd7: {  	s16 =	sadd.s32 $0x3, s0;
	v10 =	vmov s0;
	[tilespmem:s12+$0x0] =	vst v5;
	v13 =	vmul.f32 v7, v2;
	v8 =	vld [tilespmem:s12+$0x80]  }
0xd8: {  	s18 =	sadd.s32 $0x1, s0;
	v12 =	vand.u32 $0xFFFFFFFC, v10;
	v5 =	vmov s16;
	[tilespmem:s12+$0x10] =	vst v6;
	v10 =	vmul.f32 v11, v2;
	v7 =	vld [tilespmem:s12+$0x90]  }
0xd9: {  	s16 =	sadd.s32 $0x2, s0;
	s0 =	sadd.s32 $0x4, s0;
	v6 =	vbroadcast v12, $0x0;
	v12 =	vmov s18;
	[tilespmem:s12+$0x20] =	vst v13;
	v11 =	vmul.f32 v9, v2;
	v9 =	vld [tilespmem:s12+$0xA0]  }
0xda: {  	v13 =	vld [tilespmem:s12+$0xB0]  }
0xdb: {  	v15 =	vld [tilespmem:s12+$0xC0]  }
0xdc: {  	v14 =	vmov s16;
	v16 =	vld [tilespmem:s12+$0xD0]  }
0xdd: {  	v17 =	vld [tilespmem:s12+$0xE0];
	[tilespmem:s12+$0x30] =	vst v10;
	v4 =	vmul.f32 v4, v2;
	v14 =	vand.u32 $0xFFFFFFFE, v14  }
0xde: {  	v12 =	vand.u32 $0xFFFFFFFD, v12;
	v5 =	vld.idx.msk [tilespmem:v5+s4+$0x0], $0xffff;
	[tilespmem:s12+$0x40] =	vst v11;
	v2 =	vmul.f32 v3, v2;
	v14 =	vbroadcast v14, $0x0  }
0xdf: {  	s0 =	sadd.s32 $0x200, s12;
	v12 =	vbroadcast v12, $0x0;
	v3 =	vld.idx.msk [tilespmem:v6+s4+$0x0], $0xffff;
	v8 =	vmul.f32 v8, v1;
	[tilespmem:s12+$0x50] =	vst v4  }
0xe0: {  	v10 =	vld [tilespmem:s0+$0xFFFFFF00];
	v4 =	vmul.f32 v7, v1;
	[tilespmem:s12+$0x60] =	vst v2  }
0xe1: {  	[tilespmem:s12+$0x80] =	vst v8;
	v8 =	vld [tilespmem:s12+$0xF0];
	v2 =	vmul.f32 v9, v1  }
0xe2: {  	v11 =	vld [tilespmem:s0+$0xFFFFFF10];
	[tilespmem:s12+$0x90] =	vst v4;
	v4 =	vmul.f32 v13, v1  }
0xe3: {  	v9 =	vld [tilespmem:s0+$0x70];
	[tilespmem:s12+$0xA0] =	vst v2;
	v2 =	vmul.f32 v15, v1  }
0xe4: {  	[tilespmem:s12+$0xB0] =	vst v4;
	v4 =	vmul.f32 v16, v1;
	v7 =	vld.idx.msk [tilespmem:v14+s4+$0x0], $0xffff  }
0xe5: {  	v6 =	vld.idx.msk [tilespmem:v12+s4+$0x0], $0xffff;
	[tilespmem:s14+$0xC0] =	vst v2;
	v2 =	vmul.f32 v17, v1  }
0xe6: {  	v12 =	vld [tilespmem:s0+$0xFFFFFF20];
	[tilespmem:s14+$0xD0] =	vst v4;
	v1 =	vmul.f32 v8, v1  }
0xe7: {  	v4 =	vld [tilespmem:s0+$0xFFFFFF30];
	[tilespmem:s14+$0xE0] =	vst v2  }
0xe8: {  	v2 =	vld [tilespmem:s0+$0xFFFFFF40];
	[tilespmem:s14+$0xF0] =	vst v1;
	v1 =	vmul.f32 v10, v3  }
0xe9: {  	v8 =	vmul.f32 v9, v7;
	v9 =	vld [tilespmem:s0+$0xFFFFFF50]  }
0xea: {  	v10 =	vmul.f32 v11, v3;
	v11 =	vld [tilespmem:s0+$0xFFFFFF60];
	[tilespmem:s0+$0xFFFFFF00] =	vst v1  }
0xeb: {  	v1 =	vmul.f32 v12, v3;
	[tilespmem:s0+$0x70] =	vst v8;
	v8 =	vld [tilespmem:s0+$0xFFFFFF70]  }
0xec: {  	[tilespmem:s0+$0xFFFFFF10] =	vst v10;
	v10 =	vld [tilespmem:s0+$0xFFFFFF80];
	v4 =	vmul.f32 v4, v3  }
0xed: {  	[tilespmem:s0+$0xFFFFFF20] =	vst v1;
	v1 =	vmul.f32 v2, v3;
	v2 =	vld [tilespmem:s0+$0xFFFFFF90]  }
0xee: {  	[tilespmem:s0+$0xFFFFFF30] =	vst v4;
	v4 =	vmul.f32 v9, v3;
	v9 =	vld [tilespmem:s0+$0xFFFFFFA0]  }
0xef: {  	[tilespmem:s0+$0xFFFFFF40] =	vst v1;
	v1 =	vmul.f32 v11, v3;
	v11 =	vld [tilespmem:s0+$0xFFFFFFB0]  }
0xf0: {  	[tilespmem:s0+$0xFFFFFF50] =	vst v4;
	v3 =	vmul.f32 v8, v3;
	v4 =	vld [tilespmem:s0+$0xFFFFFFC0]  }
0xf1: {  	[tilespmem:s0+$0xFFFFFF60] =	vst v1;
	v1 =	vmul.f32 v10, v6;
	v8 =	vld [tilespmem:s0+$0xFFFFFFD0]  }
0xf2: {  	v2 =	vmul.f32 v2, v6;
	[tilespmem:s0+$0xFFFFFF70] =	vst v3;
	v3 =	vld [tilespmem:s0+$0xFFFFFFE0]  }
0xf3: {  	[tilespmem:s0+$0xFFFFFF80] =	vst v1;
	v1 =	vmul.f32 v9, v6;
	v9 =	vld [tilespmem:s0+$0xFFFFFFF0]  }
0xf4: {  	v10 =	vld [tilespmem:s0+$0x0];
	[tilespmem:s0+$0xFFFFFF90] =	vst v2;
	v2 =	vmul.f32 v11, v6  }
0xf5: {  	[tilespmem:s0+$0xFFFFFFA0] =	vst v1;
	v1 =	vmul.f32 v4, v6;
	v4 =	vld [tilespmem:s0+$0x10]  }
0xf6: {  	[tilespmem:s0+$0xFFFFFFB0] =	vst v2;
	v2 =	vmul.f32 v8, v6;
	v8 =	vld [tilespmem:s0+$0x20]  }
0xf7: {  	[tilespmem:s0+$0xFFFFFFC0] =	vst v1;
	v1 =	vmul.f32 v3, v6;
	v3 =	vld [tilespmem:s0+$0x30]  }
0xf8: {  	[tilespmem:s0+$0xFFFFFFD0] =	vst v2;
	v2 =	vmul.f32 v9, v6;
	v6 =	vld [tilespmem:s0+$0x40]  }
0xf9: {  	v9 =	vld [tilespmem:s0+$0x50];
	[tilespmem:s0+$0xFFFFFFE0] =	vst v1;
	v1 =	vmul.f32 v10, v7  }
0xfa: {  	[tilespmem:s0+$0xFFFFFFF0] =	vst v2;
	v2 =	vmul.f32 v4, v7;
	v4 =	vld [tilespmem:s0+$0x60]  }
0xfb: {  	[tilespmem:s0+$0x0] =	vst v1;
	v1 =	vmul.f32 v8, v7;
	v8 =	vld [tilespmem:s0+$0x80]  }
0xfc: {  	[tilespmem:s0+$0x10] =	vst v2;
	v2 =	vmul.f32 v3, v7;
	v3 =	vld [tilespmem:s0+$0x90]  }
0xfd: {  	[tilespmem:s0+$0x20] =	vst v1;
	v1 =	vmul.f32 v6, v7;
	v6 =	vld [tilespmem:s0+$0xA0]  }
0xfe: {  	[tilespmem:s0+$0x30] =	vst v2;
	v2 =	vmul.f32 v9, v7;
	v9 =	vld [tilespmem:s0+$0xB0]  }
0xff: {  	[tilespmem:s0+$0x40] =	vst v1;
	v1 =	vmul.f32 v4, v7;
	v4 =	vld [tilespmem:s0+$0xC0]  }
0x100: {  	v7 =	vld [tilespmem:s0+$0xD0];
	[tilespmem:s0+$0x50] =	vst v2;
	v2 =	vmul.f32 v8, v5  }
0x101: {  	[tilespmem:s0+$0x60] =	vst v1;
	v1 =	vmul.f32 v3, v5;
	v3 =	vld [tilespmem:s0+$0xE0]  }
0x102: {  	[tilespmem:s0+$0x80] =	vst v2;
	v2 =	vmul.f32 v6, v5;
	v6 =	vld [tilespmem:s0+$0xF0]  }
0x103: {  	[tilespmem:s0+$0x90] =	vst v1;
	v1 =	vmul.f32 v9, v5  }
0x104: {  	[tilespmem:s0+$0xA0] =	vst v2;
	v2 =	vmul.f32 v4, v5  }
0x105: {  	[tilespmem:s0+$0xB0] =	vst v1;
	v1 =	vmul.f32 v7, v5  }
0x106: {  	[tilespmem:s0+$0xC0] =	vst v2;
	v2 =	vmul.f32 v3, v5  }
0x107: {  	[tilespmem:s0+$0xD0] =	vst v1;
	v1 =	vmul.f32 v6, v5  }
0x108: {  	p1 =	seq.s32 s8, $0x0;
	[tilespmem:s0+$0xE0] =	vst v2  }
0x109: {  	[tilespmem:s0+$0xF0] =	vst v1;
	s0 =	simm.s32 @!p1 $0x6  }
0x10a: {  	_ =	swait.ge @!p1 [sflag:s0], $0x4000  }
0x10b: {  	[sflag:s0] =	ssyncset.done @!p1 $0x0  }
0x10c: {  	[sflag:s0] =	ssyncadd.s32 @!p1 $0xFFFFC000  }
0x10d: {  	s12 =	smul.u32 $0x180, s8;
	_ =	swait.ge [sflag:s22], $0x80  }
0x10e: {  	s18 =	simm.s32 $0x200;
	[sflag:s22] =	ssyncset.done $0x0;
	s14 =	rddreg [dreg:$0xe]  }
0x10f: {  	s19 =	simm.s32 $0x600;
	[sflag:s22] =	ssyncadd.s32 $0xFFFFFF80;
	s0 =	sadd.s32 s12, s14  }
0x110: {  	[spmem:s3] =	stream.indirect.scatter.add.f32 [tilespmem:s19], [sflag:$0x4], $0x80, s18, s10, $0xb8;
	[tilespmem:$0x1FE80] =	vst v63  }
0x111: {  	s0 =	sshrl.u32 s0, $0x3  }
0x112: {  	s0 =	sadd.s32 s2, s0  }
0x113: {  	[tilespmem:s23], [sflag:$0xC] =	stream.linear.gather [hbm4b:s0+s5], $0x80, $0x38;
	[tilespmem:$0x1FE80] =	vst v63  }
0x114: {  	s16 =	smul.u32 $0x3, s8;
	_ =	swait.ge [sflag:s24], $0x80  }
0x115: {  	[sflag:s24] =	ssyncset.done $0x0  }
0x116: {  	p1 =	seq.s32 s8, $0x1A;
	s0 =	sadd.s32 $0x3, s16;
	[sflag:s24] =	ssyncadd.s32 $0xFFFFFF80  }
0x117: {  	s0 =	sshll.u32 @!p1 s0, $0x7;
	_ =	swait.ge [sflag:s24], $0x80  }
0x118: {  	s18 =	simm.s32 $0x0;
	s0 =	sadd.s32 @!p1 s9, s0;
	[sflag:s24] =	ssyncset.done $0x0  }
0x119: {  	s19 =	simm.s32 $0x3;
	v1 =	vmov s18;
	s14 =	sshrl.u32 @!p1 s0, $0x3;
	[sflag:s24] =	ssyncadd.s32 $0xFFFFFF80  }
0x11a: {  	v2 =	vmov s19;
	v1 =	vand.u32 $0x7C, v1;
	[tilespmem:s25], [sflag:$0x3] =	stream.indirect.gather [hbm4b:s1+s10], $0x80, s11, s10, $0xb8;
	[tilespmem:$0x1FE80] =	vst v63  }
0x11b: {  	s16 =	simm.s32 @!p1 $0x0;
	v2 =	vand.u32 $0x7F, v2;
	v1 =	vor.u32 $0x80, v1;
	s0 =	sadd.s32 @!p1 s6, s14  }
0x11c: {  	v2 =	vor.u32 $0x80, v2;
	v1 =	vbroadcast v1, $0x0;
	[tilespmem:s16], [sflag:$0x7] =	stream.linear.gather @!p1 [hbm4b:s0+s16], $0x80, $0x38;
	[tilespmem:$0x1FE80] =	vst v63  }
0x11d: {  	s18 =	simm.s32 @!p1 $0x400;
	v2 =	vbroadcast v2, $0x0;
	s0 =	sadd.s32 @!p1 s7, s14  }
0x11e: {  	[tilespmem:s18], [sflag:$0x7] =	stream.linear.gather @!p1 [hbm4b:s0+s16], $0x80, $0x38;
	[tilespmem:$0x1FE80] =	vst v63  }
0x11f: {  	_ =	swait.ge [sflag:s26], $0x4000  }
0x120: {  	[sflag:s26] =	ssyncset.done $0x0  }
0x121: {  	[sflag:s26] =	ssyncadd.s32 $0xFFFFC000  }
0x122: {  	s18 =	simm.s32 $0x1;
	v3 =	vld.idx.msk [tilespmem:v1+s4+$0x0], $0xffff  }
0x123: {  	s19 =	simm.s32 $0x4700;
	v4 =	vmov s18;
	v1 =	vld.idx.msk [tilespmem:v2+s4+$0x0], $0xffff  }
0x124: {  	v2 =	vand.u32 $0x7D, v4;
	v4 =	vld [tilespmem:s19+$0xF0]  }
0x125: {  	v5 =	vld [tilespmem:s19+$0xFFFFFF00]  }
0x126: {  	v6 =	vld [tilespmem:s19+$0xFFFFFF10]  }
0x127: {  	v7 =	vld [tilespmem:s19+$0xFFFFFF20];
	v2 =	vor.u32 $0x80, v2  }
0x128: {  	v8 =	vld [tilespmem:s19+$0xFFFFFF30];
	v2 =	vbroadcast v2, $0x0  }
0x129: {  	v9 =	vld [tilespmem:s19+$0xFFFFFF40]  }
0x12a: {  	v10 =	vld [tilespmem:s19+$0xFFFFFF50];
	v5 =	vmul.f32 v5, v3  }
0x12b: {  	v11 =	vld [tilespmem:s19+$0xFFFFFF60];
	v4 =	vmul.f32 v4, v1  }
0x12c: {  	[tilespmem:s19+$0xFFFFFF00] =	vst v5;
	v5 =	vld [tilespmem:s19+$0xFFFFFF70]  }
0x12d: {  	s16 =	simm.s32 $0x2;
	v6 =	vmul.f32 v6, v3;
	[tilespmem:s19+$0xF0] =	vst v4;
	v4 =	vmul.f32 v7, v3;
	v7 =	vld [tilespmem:s19+$0xFFFFFF90]  }
0x12e: {  	v12 =	vmov s16;
	v13 =	vld.idx.msk [tilespmem:v2+s4+$0x0], $0xffff  }
0x12f: {  	[tilespmem:s19+$0xFFFFFF10] =	vst v6;
	v6 =	vmul.f32 v8, v3;
	v2 =	vand.u32 $0x7E, v12;
	v12 =	vld [tilespmem:s19+$0xFFFFFF80]  }
0x130: {  	v11 =	vmul.f32 v11, v3;
	v8 =	vld [tilespmem:s19+$0xFFFFFFA0];
	v2 =	vor.u32 $0x80, v2;
	[tilespmem:s19+$0xFFFFFF20] =	vst v4;
	v4 =	vmul.f32 v9, v3  }
0x131: {  	v9 =	vld [tilespmem:s19+$0xFFFFFFB0];
	[tilespmem:s19+$0xFFFFFF30] =	vst v6;
	v6 =	vmul.f32 v10, v3;
	v2 =	vbroadcast v2, $0x0  }
0x132: {  	[tilespmem:s19+$0xFFFFFF60] =	vst v11;
	v10 =	vld [tilespmem:s19+$0xFFFFFFC0]  }
0x133: {  	[tilespmem:s19+$0xFFFFFF50] =	vst v6;
	v6 =	vld [tilespmem:s19+$0xFFFFFFE0];
	v3 =	vmul.f32 v5, v3  }
0x134: {  	[tilespmem:s19+$0xFFFFFF40] =	vst v4;
	v5 =	vld [tilespmem:s19+$0xFFFFFFF0];
	v4 =	vmul.f32 v12, v13  }
0x135: {  	v12 =	vld [tilespmem:s19+$0xFFFFFFD0];
	[tilespmem:s19+$0xFFFFFF70] =	vst v3;
	v3 =	vmul.f32 v8, v13  }
0x136: {  	[tilespmem:s19+$0xFFFFFF80] =	vst v4;
	v4 =	vmul.f32 v7, v13;
	v7 =	vld [tilespmem:s19+$0x0]  }
0x137: {  	v2 =	vld.idx.msk [tilespmem:v2+s4+$0x0], $0xffff;
	[tilespmem:s19+$0xFFFFFFA0] =	vst v3;
	v3 =	vmul.f32 v10, v13  }
0x138: {  	v8 =	vld [tilespmem:s19+$0x10];
	[tilespmem:s19+$0xFFFFFF90] =	vst v4;
	v4 =	vmul.f32 v9, v13  }
0x139: {  	s18 =	simm.s32 $0x4;
	v6 =	vmul.f32 v6, v13;
	v9 =	vld [tilespmem:s19+$0x20];
	[tilespmem:s19+$0xFFFFFFC0] =	vst v3  }
0x13a: {  	v11 =	vmov s18;
	v10 =	vld [tilespmem:s19+$0x30];
	[tilespmem:s19+$0xFFFFFFB0] =	vst v4;
	v4 =	vmul.f32 v12, v13  }
0x13b: {  	v11 =	vand.u32 $0x7C, v11;
	v3 =	vld [tilespmem:s19+$0x40];
	[tilespmem:s19+$0xFFFFFFE0] =	vst v6;
	v12 =	vmul.f32 v5, v13  }
0x13c: {  	s16 =	simm.s32 $0x5;
	s18 =	simm.s32 $0x6;
	v6 =	vor.u32 $0x80, v11;
	[tilespmem:s19+$0xFFFFFFD0] =	vst v4;
	v7 =	vmul.f32 v7, v2;
	v4 =	vld [tilespmem:s19+$0x50]  }
0x13d: {  	v11 =	vmov s18;
	v13 =	vmov s16;
	v5 =	vld [tilespmem:s19+$0x60];
	v8 =	vmul.f32 v8, v2;
	[tilespmem:s19+$0xFFFFFFF0] =	vst v12  }
0x13e: {  	v11 =	vand.u32 $0x7E, v11;
	v12 =	vand.u32 $0x7D, v13;
	v9 =	vmul.f32 v9, v2;
	[tilespmem:s19+$0x0] =	vst v7;
	v7 =	vld [tilespmem:s19+$0x70]  }
0x13f: {  	s0 =	simm.s32 $0x8;
	s18 =	simm.s32 $0x7;
	v6 =	vbroadcast v6, $0x0;
	s16 =	simm.s32 $0x4700;
	v10 =	vmul.f32 v10, v2;
	v12 =	vor.u32 $0x80, v12;
	[tilespmem:s19+$0x10] =	vst v8;
	v8 =	vld [tilespmem:s19+$0x80]  }
.LBB2_7:
0x140: {  	p2 =	slt.u32 s0, $0x7C;
	v11 =	vor.u32 $0x80, v11;
	v13 =	vmov s18;
	[tilespmem:s19+$0x20] =	vst v9;
	v3 =	vmul.f32 v3, v2;
	v9 =	vld [tilespmem:s19+$0x90]  }
0x141: {  	v12 =	vbroadcast v12, $0x0;
	v13 =	vand.u32 $0x7F, v13;
	[tilespmem:s19+$0x30] =	vst v10;
	v4 =	vmul.f32 v4, v2;
	v10 =	vld [tilespmem:s19+$0xA0]  }
0x142: {  	v11 =	vbroadcast v11, $0x0;
	v13 =	vor.u32 $0x80, v13;
	[tilespmem:s19+$0x40] =	vst v3;
	v3 =	vmul.f32 v5, v2;
	v5 =	vld [tilespmem:s19+$0xB0]  }
0x143: {  	v13 =	vbroadcast v13, $0x0;
	[tilespmem:s19+$0x50] =	vst v4;
	v2 =	vmul.f32 v7, v2;
	v4 =	vld [tilespmem:s19+$0xC0]  }
0x144: {  	[tilespmem:s19+$0x60] =	vst v3;
	v3 =	vmul.f32 v8, v1;
	v7 =	vld [tilespmem:s19+$0xD0]  }
0x145: {  	[tilespmem:s19+$0x70] =	vst v2;
	v2 =	vmul.f32 v9, v1;
	v8 =	vld [tilespmem:s19+$0xE0]  }
0x146: {  	v6 =	vld.idx.msk [tilespmem:v6+s4+$0x0], $0xffff;
	[tilespmem:s19+$0x80] =	vst v3;
	v3 =	vmul.f32 v10, v1  }
0x147: {  	v9 =	vld.idx.msk [tilespmem:v12+s4+$0x0], $0xffff;
	[tilespmem:s19+$0x90] =	vst v2;
	v5 =	vmul.f32 v5, v1  }
0x148: {  	v2 =	vld.idx.msk [tilespmem:v11+s4+$0x0], $0xffff;
	[tilespmem:s19+$0xA0] =	vst v3;
	v3 =	vmul.f32 v4, v1  }
0x149: {  	s19 =	sadd.s32 $0x200, s19;
	v4 =	vld.idx.msk [tilespmem:v13+s4+$0x0], $0xffff;
	[tilespmem:s16+$0xB0] =	vst v5;
	v5 =	vmul.f32 v7, v1  }
0x14a: {  	v7 =	vld [tilespmem:s19+$0xF0];
	[tilespmem:s16+$0xC0] =	vst v3;
	v1 =	vmul.f32 v8, v1  }
0x14b: {  	v3 =	vld [tilespmem:s19+$0xFFFFFF00];
	[tilespmem:s16+$0xD0] =	vst v5  }
0x14c: {  	v5 =	vld [tilespmem:s19+$0xFFFFFF10];
	[tilespmem:s16+$0xE0] =	vst v1;
	s16 =	smov.u32 s19  }
0x14d: {  	v8 =	vld [tilespmem:s19+$0xFFFFFF20]  }
0x14e: {  	v10 =	vld [tilespmem:s19+$0xFFFFFF30]  }
0x14f: {  	v1 =	vmov v4;
	v11 =	vld [tilespmem:s19+$0xFFFFFF40];
	v7 =	vmul.f32 v7, v4  }
0x150: {  	v3 =	vmul.f32 v3, v6;
	v4 =	vld [tilespmem:s19+$0xFFFFFF50]  }
0x151: {  	v5 =	vmul.f32 v5, v6;
	v12 =	vld [tilespmem:s19+$0xFFFFFF60];
	[tilespmem:s19+$0xF0] =	vst v7  }
0x152: {  	[tilespmem:s19+$0xFFFFFF00] =	vst v3;
	v3 =	vmul.f32 v8, v6;
	v7 =	vld [tilespmem:s19+$0xFFFFFF70]  }
0x153: {  	[tilespmem:s19+$0xFFFFFF10] =	vst v5;
	v5 =	vmul.f32 v10, v6;
	v8 =	vld [tilespmem:s19+$0xFFFFFF80]  }
0x154: {  	[tilespmem:s19+$0xFFFFFF20] =	vst v3;
	v3 =	vmul.f32 v11, v6;
	v10 =	vld [tilespmem:s19+$0xFFFFFF90]  }
0x155: {  	[tilespmem:s19+$0xFFFFFF30] =	vst v5;
	v4 =	vmul.f32 v4, v6;
	v5 =	vld [tilespmem:s19+$0xFFFFFFA0]  }
0x156: {  	[tilespmem:s19+$0xFFFFFF40] =	vst v3;
	v3 =	vmul.f32 v12, v6;
	v11 =	vld [tilespmem:s19+$0xFFFFFFB0]  }
0x157: {  	[tilespmem:s19+$0xFFFFFF50] =	vst v4;
	v4 =	vmul.f32 v7, v6;
	v6 =	vld [tilespmem:s19+$0xFFFFFFC0]  }
0x158: {  	[tilespmem:s19+$0xFFFFFF60] =	vst v3;
	v3 =	vmul.f32 v8, v9;
	v7 =	vld [tilespmem:s19+$0xFFFFFFD0]  }
0x159: {  	[tilespmem:s19+$0xFFFFFF70] =	vst v4;
	v4 =	vmul.f32 v10, v9;
	v8 =	vld [tilespmem:s19+$0xFFFFFFE0]  }
0x15a: {  	[tilespmem:s19+$0xFFFFFF80] =	vst v3;
	v3 =	vmul.f32 v5, v9;
	v5 =	vld [tilespmem:s19+$0xFFFFFFF0]  }
0x15b: {  	[tilespmem:s19+$0xFFFFFF90] =	vst v4;
	v4 =	vmul.f32 v11, v9;
	v10 =	vld [tilespmem:s19+$0x0]  }
0x15c: {  	[tilespmem:s19+$0xFFFFFFA0] =	vst v3;
	v3 =	vmul.f32 v6, v9;
	v6 =	vld [tilespmem:s19+$0x10]  }
0x15d: {  	[tilespmem:s19+$0xFFFFFFB0] =	vst v4;
	v4 =	vmul.f32 v7, v9;
	v7 =	vld [tilespmem:s19+$0x20]  }
0x15e: {  	[tilespmem:s19+$0xFFFFFFC0] =	vst v3;
	v8 =	vmul.f32 v8, v9;
	v13 =	vld [tilespmem:s19+$0x30]  }
.Ltmp4:
0x15f: {  	s18 =	sadd.s32 $0x1, s0;
	v11 =	vmov s0;
	[tilespmem:s19+$0xFFFFFFD0] =	vst v4;
	v5 =	vmul.f32 v5, v9;
	v3 =	vld [tilespmem:s19+$0x40];
	(pc) =	sbr.rel @p2 .LBB2_7-.Ltmp4, $4  }
0x160: {  	v9 =	vand.u32 $0x7C, v11;
	v11 =	vmov s18;
	s18 =	sadd.s32 $0x2, s0;
	[tilespmem:s19+$0xFFFFFFE0] =	vst v8;
	v8 =	vmul.f32 v10, v2;
	v4 =	vld [tilespmem:s19+$0x50]  }
0x161: {  	v10 =	vor.u32 $0x80, v9;
	v9 =	vmov s18;
	[tilespmem:s19+$0xFFFFFFF0] =	vst v5;
	v14 =	vmul.f32 v6, v2;
	v5 =	vld [tilespmem:s19+$0x60]  }
0x162: {  	v12 =	vand.u32 $0x7D, v11;
	v11 =	vand.u32 $0x7E, v9;
	[tilespmem:s19+$0x0] =	vst v8;
	v9 =	vmul.f32 v7, v2;
	v7 =	vld [tilespmem:s19+$0x70]  }
0x163: {  	s18 =	sadd.s32 $0x3, s0;
	s0 =	sadd.s32 $0x4, s0;
	v6 =	vbroadcast v10, $0x0;
	v12 =	vor.u32 $0x80, v12;
	[tilespmem:s19+$0x10] =	vst v14;
	v10 =	vmul.f32 v13, v2;
	v8 =	vld [tilespmem:s19+$0x80]  }
0x164: {  	v14 =	vld [tilespmem:s19+$0x90]  }
0x165: {  	v15 =	vld [tilespmem:s19+$0xA0]  }
0x166: {  	v13 =	vmov s18;
	v11 =	vor.u32 $0x80, v11;
	v12 =	vbroadcast v12, $0x0;
	v16 =	vld [tilespmem:s19+$0xB0]  }
0x167: {  	v17 =	vld [tilespmem:s19+$0xC0];
	[tilespmem:s19+$0x20] =	vst v9;
	v3 =	vmul.f32 v3, v2;
	v13 =	vand.u32 $0x7F, v13;
	v11 =	vbroadcast v11, $0x0  }
0x168: {  	v9 =	vld [tilespmem:s19+$0xD0];
	[tilespmem:s19+$0x30] =	vst v10;
	v4 =	vmul.f32 v4, v2;
	v13 =	vor.u32 $0x80, v13  }
0x169: {  	v10 =	vld [tilespmem:s19+$0xE0];
	[tilespmem:s19+$0x40] =	vst v3;
	v3 =	vmul.f32 v5, v2;
	v13 =	vbroadcast v13, $0x0  }
0x16a: {  	s0 =	sadd.s32 $0x200, s19;
	v5 =	vld.idx.msk [tilespmem:v6+s4+$0x0], $0xffff;
	[tilespmem:s19+$0x50] =	vst v4;
	v2 =	vmul.f32 v7, v2  }
0x16b: {  	[tilespmem:s19+$0x60] =	vst v3;
	v3 =	vmul.f32 v8, v1;
	v8 =	vld [tilespmem:s0+$0xF0]  }
0x16c: {  	[tilespmem:s19+$0x70] =	vst v2;
	v2 =	vmul.f32 v14, v1;
	v4 =	vld.idx.msk [tilespmem:v12+s4+$0x0], $0xffff  }
0x16d: {  	[tilespmem:s19+$0x80] =	vst v3;
	v3 =	vmul.f32 v15, v1;
	v6 =	vld.idx.msk [tilespmem:v11+s4+$0x0], $0xffff  }
0x16e: {  	[tilespmem:s19+$0x90] =	vst v2;
	v2 =	vmul.f32 v16, v1;
	v11 =	vld [tilespmem:s0+$0xFFFFFF00]  }
0x16f: {  	[tilespmem:s19+$0xA0] =	vst v3;
	v3 =	vmul.f32 v17, v1;
	v7 =	vld.idx.msk [tilespmem:v13+s4+$0x0], $0xffff  }
0x170: {  	v12 =	vld [tilespmem:s0+$0xFFFFFF10];
	[tilespmem:s16+$0xB0] =	vst v2;
	v2 =	vmul.f32 v9, v1  }
0x171: {  	v9 =	vld [tilespmem:s0+$0xFFFFFF20];
	v1 =	vmul.f32 v10, v1;
	[tilespmem:s16+$0xC0] =	vst v3  }
0x172: {  	v3 =	vld [tilespmem:s0+$0xFFFFFF30];
	[tilespmem:s16+$0xD0] =	vst v2  }
0x173: {  	v2 =	vld [tilespmem:s0+$0xFFFFFF40];
	[tilespmem:s16+$0xE0] =	vst v1;
	v1 =	vmul.f32 v11, v5  }
0x174: {  	v10 =	vld [tilespmem:s0+$0xFFFFFF50];
	v8 =	vmul.f32 v8, v7  }
0x175: {  	v11 =	vmul.f32 v12, v5;
	v12 =	vld [tilespmem:s0+$0xFFFFFF60];
	[tilespmem:s0+$0xFFFFFF00] =	vst v1  }
0x176: {  	v1 =	vmul.f32 v9, v5;
	[tilespmem:s0+$0xF0] =	vst v8;
	v8 =	vld [tilespmem:s0+$0xFFFFFF70]  }
0x177: {  	[tilespmem:s0+$0xFFFFFF10] =	vst v11;
	v9 =	vld [tilespmem:s0+$0xFFFFFF80];
	v3 =	vmul.f32 v3, v5  }
0x178: {  	[tilespmem:s0+$0xFFFFFF20] =	vst v1;
	v1 =	vmul.f32 v2, v5;
	v2 =	vld [tilespmem:s0+$0xFFFFFF90]  }
0x179: {  	[tilespmem:s0+$0xFFFFFF30] =	vst v3;
	v3 =	vmul.f32 v10, v5;
	v10 =	vld [tilespmem:s0+$0xFFFFFFA0]  }
0x17a: {  	v11 =	vld [tilespmem:s0+$0xFFFFFFB0];
	[tilespmem:s0+$0xFFFFFF40] =	vst v1;
	v1 =	vmul.f32 v12, v5  }
0x17b: {  	[tilespmem:s0+$0xFFFFFF50] =	vst v3;
	v3 =	vmul.f32 v8, v5;
	v5 =	vld [tilespmem:s0+$0xFFFFFFC0]  }
0x17c: {  	[tilespmem:s0+$0xFFFFFF60] =	vst v1;
	v1 =	vmul.f32 v9, v4;
	v8 =	vld [tilespmem:s0+$0xFFFFFFD0]  }
0x17d: {  	v2 =	vmul.f32 v2, v4;
	[tilespmem:s0+$0xFFFFFF70] =	vst v3;
	v3 =	vld [tilespmem:s0+$0xFFFFFFE0]  }
0x17e: {  	v9 =	vld [tilespmem:s0+$0xFFFFFFF0];
	[tilespmem:s0+$0xFFFFFF80] =	vst v1;
	v1 =	vmul.f32 v10, v4  }
0x17f: {  	v10 =	vld [tilespmem:s0+$0x0];
	[tilespmem:s0+$0xFFFFFF90] =	vst v2;
	v2 =	vmul.f32 v11, v4  }
0x180: {  	[tilespmem:s0+$0xFFFFFFA0] =	vst v1;
	v1 =	vmul.f32 v5, v4;
	v5 =	vld [tilespmem:s0+$0x10]  }
0x181: {  	[tilespmem:s0+$0xFFFFFFB0] =	vst v2;
	v2 =	vmul.f32 v8, v4;
	v8 =	vld [tilespmem:s0+$0x20]  }
0x182: {  	[tilespmem:s0+$0xFFFFFFC0] =	vst v1;
	v1 =	vmul.f32 v3, v4;
	v3 =	vld [tilespmem:s0+$0x30]  }
0x183: {  	[tilespmem:s0+$0xFFFFFFD0] =	vst v2;
	v2 =	vmul.f32 v9, v4;
	v4 =	vld [tilespmem:s0+$0x40]  }
0x184: {  	v9 =	vld [tilespmem:s0+$0x50];
	[tilespmem:s0+$0xFFFFFFE0] =	vst v1;
	v1 =	vmul.f32 v10, v6  }
0x185: {  	[tilespmem:s0+$0xFFFFFFF0] =	vst v2;
	v2 =	vmul.f32 v5, v6;
	v5 =	vld [tilespmem:s0+$0x60]  }
0x186: {  	[tilespmem:s0+$0x0] =	vst v1;
	v1 =	vmul.f32 v8, v6;
	v8 =	vld [tilespmem:s0+$0x70]  }
0x187: {  	[tilespmem:s0+$0x10] =	vst v2;
	v2 =	vmul.f32 v3, v6;
	v3 =	vld [tilespmem:s0+$0x80]  }
0x188: {  	[tilespmem:s0+$0x20] =	vst v1;
	v1 =	vmul.f32 v4, v6;
	v4 =	vld [tilespmem:s0+$0x90]  }
0x189: {  	[tilespmem:s0+$0x30] =	vst v2;
	v2 =	vmul.f32 v9, v6;
	v9 =	vld [tilespmem:s0+$0xA0]  }
0x18a: {  	[tilespmem:s0+$0x40] =	vst v1;
	v1 =	vmul.f32 v5, v6;
	v5 =	vld [tilespmem:s0+$0xB0]  }
0x18b: {  	[tilespmem:s0+$0x50] =	vst v2;
	v2 =	vmul.f32 v8, v6;
	v6 =	vld [tilespmem:s0+$0xC0]  }
0x18c: {  	[tilespmem:s0+$0x60] =	vst v1;
	v1 =	vmul.f32 v3, v7;
	v3 =	vld [tilespmem:s0+$0xD0]  }
0x18d: {  	[tilespmem:s0+$0x70] =	vst v2;
	v2 =	vmul.f32 v4, v7;
	v4 =	vld [tilespmem:s0+$0xE0]  }
0x18e: {  	[tilespmem:s0+$0x80] =	vst v1;
	v1 =	vmul.f32 v9, v7  }
0x18f: {  	[tilespmem:s0+$0x90] =	vst v2;
	v2 =	vmul.f32 v5, v7  }
0x190: {  	[tilespmem:s0+$0xA0] =	vst v1;
	v1 =	vmul.f32 v6, v7  }
0x191: {  	[tilespmem:s0+$0xB0] =	vst v2;
	v2 =	vmul.f32 v3, v7  }
0x192: {  	[tilespmem:s0+$0xC0] =	vst v1;
	v1 =	vmul.f32 v4, v7  }
0x193: {  	[tilespmem:s0+$0xD0] =	vst v2  }
0x194: {  	[tilespmem:s0+$0xE0] =	vst v1  }
0x195: {  	_ =	swait.ge [sflag:s28], $0x4000  }
0x196: {  	[sflag:s28] =	ssyncset.done $0x0  }
0x197: {  	[sflag:s28] =	ssyncadd.s32 $0xFFFFC000  }
0x198: {  	_ =	swait.ge [sflag:s29], $0x80  }
0x199: {  	[sflag:s29] =	ssyncset.done $0x0  }
0x19a: {  	[sflag:s29] =	ssyncadd.s32 $0xFFFFFF80  }
0x19b: {  	[spmem:s3] =	stream.indirect.scatter.add.f32 [tilespmem:s20], [sflag:$0x5], $0x80, s15, s10, $0xb8;
	[tilespmem:$0x1FE80] =	vst v63  }
0x19c: {  	s16 =	simm.s32 @!p1 $0x0;
	s0 =	sadd.s32 @!p1 s2, s14;
	s14 =	simm.s32 @!p1 $0x200  }
0x19d: {  	[tilespmem:s14], [sflag:$0xA] =	stream.linear.gather @!p1 [hbm4b:s0+s16], $0x80, $0x38;
	[tilespmem:$0x1FE80] =	vst v63  }
0x19e: {  	s0 =	simm.s32 @!p1 $0x7  }
0x19f: {  	_ =	swait.ge @!p1 [sflag:s0], $0x80  }
0x1a0: {  	[sflag:s0] =	ssyncset.done @!p1 $0x0  }
0x1a1: {  	[sflag:s0] =	ssyncadd.s32 @!p1 $0xFFFFFF80  }
0x1a2: {  	_ =	swait.ge @!p1 [sflag:s0], $0x80  }
0x1a3: {  	[sflag:s0] =	ssyncset.done @!p1 $0x0  }
0x1a4: {  	s14 =	simm.s32 @!p1 $0x600;
	[sflag:s0] =	ssyncadd.s32 @!p1 $0xFFFFFF80;
	s0 =	simm.s32 @!p1 $0x80  }
0x1a5: {  	[tilespmem:s14], [sflag:$0x1] =	stream.indirect.gather @!p1 [hbm4b:s1+s0], $0x80, s16, s0, $0xb8;
	[tilespmem:$0x1FE80] =	vst v63  }
0x1a6: {  	s18 =	simm.s32 $0x0;
	s14 =	sadd.s32 @!p1 $0x200, s12  }
0x1a7: {  	v1 =	vmov s18;
	s18 =	simm.s32 $0x3;
	s19 =	sadd.s32 @!p1 s9, s14  }
0x1a8: {  	v1 =	vand.u32 $0x7C, v1;
	v2 =	vmov s18;
	s19 =	sshrl.u32 @!p1 s19, $0x3  }
0x1a9: {  	v1 =	vor.u32 $0x100, v1;
	v2 =	vand.u32 $0x7F, v2;
	s18 =	sadd.s32 @!p1 s6, s19  }
0x1aa: {  	v1 =	vbroadcast v1, $0x0;
	v2 =	vor.u32 $0x100, v2;
	[tilespmem:s0], [sflag:$0x8] =	stream.linear.gather @!p1 [hbm4b:s18+s16], $0x80, $0x38;
	[tilespmem:$0x1FE80] =	vst v63  }
0x1ab: {  	v2 =	vbroadcast v2, $0x0;
	s0 =	sadd.s32 @!p1 s7, s19;
	s18 =	simm.s32 @!p1 $0x480  }
0x1ac: {  	[tilespmem:s18], [sflag:$0x8] =	stream.linear.gather @!p1 [hbm4b:s0+s16], $0x80, $0x38;
	[tilespmem:$0x1FE80] =	vst v63  }
0x1ad: {  	_ =	swait.ge [sflag:s30], $0x4000  }
0x1ae: {  	[sflag:s30] =	ssyncset.done $0x0  }
0x1af: {  	[sflag:s30] =	ssyncadd.s32 $0xFFFFC000  }
0x1b0: {  	s18 =	simm.s32 $0x1;
	v3 =	vld.idx.msk [tilespmem:v1+s4+$0x0], $0xffff  }
0x1b1: {  	s19 =	simm.s32 $0x8700;
	v4 =	vmov s18;
	v1 =	vld.idx.msk [tilespmem:v2+s4+$0x0], $0xffff  }
0x1b2: {  	v2 =	vand.u32 $0x7D, v4;
	v4 =	vld [tilespmem:s19+$0xF0]  }
0x1b3: {  	v5 =	vld [tilespmem:s19+$0xFFFFFF00]  }
0x1b4: {  	v6 =	vld [tilespmem:s19+$0xFFFFFF10]  }
0x1b5: {  	v7 =	vld [tilespmem:s19+$0xFFFFFF20];
	v2 =	vor.u32 $0x100, v2  }
0x1b6: {  	v8 =	vld [tilespmem:s19+$0xFFFFFF30];
	v2 =	vbroadcast v2, $0x0  }
0x1b7: {  	v9 =	vld [tilespmem:s19+$0xFFFFFF40]  }
0x1b8: {  	v10 =	vld [tilespmem:s19+$0xFFFFFF50];
	v5 =	vmul.f32 v5, v3  }
0x1b9: {  	v11 =	vld [tilespmem:s19+$0xFFFFFF60];
	v4 =	vmul.f32 v4, v1  }
0x1ba: {  	[tilespmem:s19+$0xFFFFFF00] =	vst v5;
	v5 =	vld [tilespmem:s19+$0xFFFFFF70]  }
0x1bb: {  	s16 =	simm.s32 $0x2;
	v6 =	vmul.f32 v6, v3;
	[tilespmem:s19+$0xF0] =	vst v4;
	v4 =	vmul.f32 v7, v3;
	v7 =	vld [tilespmem:s19+$0xFFFFFF90]  }
0x1bc: {  	v12 =	vmov s16;
	v13 =	vld.idx.msk [tilespmem:v2+s4+$0x0], $0xffff  }
0x1bd: {  	[tilespmem:s19+$0xFFFFFF10] =	vst v6;
	v6 =	vmul.f32 v8, v3;
	v2 =	vand.u32 $0x7E, v12;
	v12 =	vld [tilespmem:s19+$0xFFFFFF80]  }
0x1be: {  	v11 =	vmul.f32 v11, v3;
	v8 =	vld [tilespmem:s19+$0xFFFFFFA0];
	v2 =	vor.u32 $0x100, v2;
	[tilespmem:s19+$0xFFFFFF20] =	vst v4;
	v4 =	vmul.f32 v9, v3  }
0x1bf: {  	v9 =	vld [tilespmem:s19+$0xFFFFFFB0];
	[tilespmem:s19+$0xFFFFFF30] =	vst v6;
	v6 =	vmul.f32 v10, v3;
	v2 =	vbroadcast v2, $0x0  }
0x1c0: {  	[tilespmem:s19+$0xFFFFFF60] =	vst v11;
	v10 =	vld [tilespmem:s19+$0xFFFFFFC0]  }
0x1c1: {  	[tilespmem:s19+$0xFFFFFF50] =	vst v6;
	v6 =	vld [tilespmem:s19+$0xFFFFFFE0];
	v3 =	vmul.f32 v5, v3  }
0x1c2: {  	[tilespmem:s19+$0xFFFFFF40] =	vst v4;
	v5 =	vld [tilespmem:s19+$0xFFFFFFF0];
	v4 =	vmul.f32 v12, v13  }
0x1c3: {  	v12 =	vld [tilespmem:s19+$0xFFFFFFD0];
	[tilespmem:s19+$0xFFFFFF70] =	vst v3;
	v3 =	vmul.f32 v8, v13  }
0x1c4: {  	[tilespmem:s19+$0xFFFFFF80] =	vst v4;
	v4 =	vmul.f32 v7, v13;
	v7 =	vld [tilespmem:s19+$0x0]  }
0x1c5: {  	v2 =	vld.idx.msk [tilespmem:v2+s4+$0x0], $0xffff;
	[tilespmem:s19+$0xFFFFFFA0] =	vst v3;
	v3 =	vmul.f32 v10, v13  }
0x1c6: {  	v8 =	vld [tilespmem:s19+$0x10];
	[tilespmem:s19+$0xFFFFFF90] =	vst v4;
	v4 =	vmul.f32 v9, v13  }
0x1c7: {  	s18 =	simm.s32 $0x4;
	v6 =	vmul.f32 v6, v13;
	v9 =	vld [tilespmem:s19+$0x20];
	[tilespmem:s19+$0xFFFFFFC0] =	vst v3  }
0x1c8: {  	v11 =	vmov s18;
	v10 =	vld [tilespmem:s19+$0x30];
	[tilespmem:s19+$0xFFFFFFB0] =	vst v4;
	v4 =	vmul.f32 v12, v13  }
0x1c9: {  	v11 =	vand.u32 $0x7C, v11;
	v3 =	vld [tilespmem:s19+$0x40];
	[tilespmem:s19+$0xFFFFFFE0] =	vst v6;
	v12 =	vmul.f32 v5, v13  }
0x1ca: {  	s16 =	simm.s32 $0x5;
	s18 =	simm.s32 $0x6;
	v6 =	vor.u32 $0x100, v11;
	[tilespmem:s19+$0xFFFFFFD0] =	vst v4;
	v7 =	vmul.f32 v7, v2;
	v4 =	vld [tilespmem:s19+$0x50]  }
0x1cb: {  	v11 =	vmov s18;
	v13 =	vmov s16;
	v5 =	vld [tilespmem:s19+$0x60];
	v8 =	vmul.f32 v8, v2;
	[tilespmem:s19+$0xFFFFFFF0] =	vst v12  }
0x1cc: {  	s14 =	simm.s32 @p1 $0x2900;
	v11 =	vand.u32 $0x7E, v11;
	v12 =	vand.u32 $0x7D, v13;
	v9 =	vmul.f32 v9, v2;
	[tilespmem:s19+$0x0] =	vst v7;
	v7 =	vld [tilespmem:s19+$0x70]  }
0x1cd: {  	s0 =	simm.s32 $0x8;
	s18 =	simm.s32 $0x7;
	v6 =	vbroadcast v6, $0x0;
	s16 =	simm.s32 $0x8700;
	v10 =	vmul.f32 v10, v2;
	v12 =	vor.u32 $0x100, v12;
	[tilespmem:s19+$0x10] =	vst v8;
	v8 =	vld [tilespmem:s19+$0x80]  }
.LBB2_9:
0x1ce: {  	p2 =	slt.u32 s0, $0x7C;
	v11 =	vor.u32 $0x100, v11;
	v13 =	vmov s18;
	[tilespmem:s19+$0x20] =	vst v9;
	v3 =	vmul.f32 v3, v2;
	v9 =	vld [tilespmem:s19+$0x90]  }
0x1cf: {  	v12 =	vbroadcast v12, $0x0;
	v13 =	vand.u32 $0x7F, v13;
	[tilespmem:s19+$0x30] =	vst v10;
	v4 =	vmul.f32 v4, v2;
	v10 =	vld [tilespmem:s19+$0xA0]  }
0x1d0: {  	v11 =	vbroadcast v11, $0x0;
	v13 =	vor.u32 $0x100, v13;
	[tilespmem:s19+$0x40] =	vst v3;
	v3 =	vmul.f32 v5, v2;
	v5 =	vld [tilespmem:s19+$0xB0]  }
0x1d1: {  	v13 =	vbroadcast v13, $0x0;
	[tilespmem:s19+$0x50] =	vst v4;
	v2 =	vmul.f32 v7, v2;
	v4 =	vld [tilespmem:s19+$0xC0]  }
0x1d2: {  	[tilespmem:s19+$0x60] =	vst v3;
	v3 =	vmul.f32 v8, v1;
	v7 =	vld [tilespmem:s19+$0xD0]  }
0x1d3: {  	[tilespmem:s19+$0x70] =	vst v2;
	v2 =	vmul.f32 v9, v1;
	v8 =	vld [tilespmem:s19+$0xE0]  }
0x1d4: {  	v6 =	vld.idx.msk [tilespmem:v6+s4+$0x0], $0xffff;
	[tilespmem:s19+$0x80] =	vst v3;
	v3 =	vmul.f32 v10, v1  }
0x1d5: {  	v9 =	vld.idx.msk [tilespmem:v12+s4+$0x0], $0xffff;
	[tilespmem:s19+$0x90] =	vst v2;
	v5 =	vmul.f32 v5, v1  }
0x1d6: {  	v2 =	vld.idx.msk [tilespmem:v11+s4+$0x0], $0xffff;
	[tilespmem:s19+$0xA0] =	vst v3;
	v3 =	vmul.f32 v4, v1  }
0x1d7: {  	s19 =	sadd.s32 $0x200, s19;
	v4 =	vld.idx.msk [tilespmem:v13+s4+$0x0], $0xffff;
	[tilespmem:s16+$0xB0] =	vst v5;
	v5 =	vmul.f32 v7, v1  }
0x1d8: {  	v7 =	vld [tilespmem:s19+$0xF0];
	[tilespmem:s16+$0xC0] =	vst v3;
	v1 =	vmul.f32 v8, v1  }
0x1d9: {  	v3 =	vld [tilespmem:s19+$0xFFFFFF00];
	[tilespmem:s16+$0xD0] =	vst v5  }
0x1da: {  	v5 =	vld [tilespmem:s19+$0xFFFFFF10];
	[tilespmem:s16+$0xE0] =	vst v1;
	s16 =	smov.u32 s19  }
0x1db: {  	v8 =	vld [tilespmem:s19+$0xFFFFFF20]  }
0x1dc: {  	v10 =	vld [tilespmem:s19+$0xFFFFFF30]  }
0x1dd: {  	v1 =	vmov v4;
	v11 =	vld [tilespmem:s19+$0xFFFFFF40];
	v7 =	vmul.f32 v7, v4  }
0x1de: {  	v3 =	vmul.f32 v3, v6;
	v4 =	vld [tilespmem:s19+$0xFFFFFF50]  }
0x1df: {  	v5 =	vmul.f32 v5, v6;
	v12 =	vld [tilespmem:s19+$0xFFFFFF60];
	[tilespmem:s19+$0xF0] =	vst v7  }
0x1e0: {  	[tilespmem:s19+$0xFFFFFF00] =	vst v3;
	v3 =	vmul.f32 v8, v6;
	v7 =	vld [tilespmem:s19+$0xFFFFFF70]  }
0x1e1: {  	[tilespmem:s19+$0xFFFFFF10] =	vst v5;
	v5 =	vmul.f32 v10, v6;
	v8 =	vld [tilespmem:s19+$0xFFFFFF80]  }
0x1e2: {  	[tilespmem:s19+$0xFFFFFF20] =	vst v3;
	v3 =	vmul.f32 v11, v6;
	v10 =	vld [tilespmem:s19+$0xFFFFFF90]  }
0x1e3: {  	[tilespmem:s19+$0xFFFFFF30] =	vst v5;
	v4 =	vmul.f32 v4, v6;
	v5 =	vld [tilespmem:s19+$0xFFFFFFA0]  }
0x1e4: {  	[tilespmem:s19+$0xFFFFFF40] =	vst v3;
	v3 =	vmul.f32 v12, v6;
	v11 =	vld [tilespmem:s19+$0xFFFFFFB0]  }
0x1e5: {  	[tilespmem:s19+$0xFFFFFF50] =	vst v4;
	v4 =	vmul.f32 v7, v6;
	v6 =	vld [tilespmem:s19+$0xFFFFFFC0]  }
0x1e6: {  	[tilespmem:s19+$0xFFFFFF60] =	vst v3;
	v3 =	vmul.f32 v8, v9;
	v7 =	vld [tilespmem:s19+$0xFFFFFFD0]  }
0x1e7: {  	[tilespmem:s19+$0xFFFFFF70] =	vst v4;
	v4 =	vmul.f32 v10, v9;
	v8 =	vld [tilespmem:s19+$0xFFFFFFE0]  }
0x1e8: {  	[tilespmem:s19+$0xFFFFFF80] =	vst v3;
	v3 =	vmul.f32 v5, v9;
	v5 =	vld [tilespmem:s19+$0xFFFFFFF0]  }
0x1e9: {  	[tilespmem:s19+$0xFFFFFF90] =	vst v4;
	v4 =	vmul.f32 v11, v9;
	v10 =	vld [tilespmem:s19+$0x0]  }
0x1ea: {  	[tilespmem:s19+$0xFFFFFFA0] =	vst v3;
	v3 =	vmul.f32 v6, v9;
	v6 =	vld [tilespmem:s19+$0x10]  }
0x1eb: {  	[tilespmem:s19+$0xFFFFFFB0] =	vst v4;
	v4 =	vmul.f32 v7, v9;
	v7 =	vld [tilespmem:s19+$0x20]  }
0x1ec: {  	[tilespmem:s19+$0xFFFFFFC0] =	vst v3;
	v8 =	vmul.f32 v8, v9;
	v13 =	vld [tilespmem:s19+$0x30]  }
.Ltmp5:
0x1ed: {  	s18 =	sadd.s32 $0x1, s0;
	v11 =	vmov s0;
	[tilespmem:s19+$0xFFFFFFD0] =	vst v4;
	v5 =	vmul.f32 v5, v9;
	v3 =	vld [tilespmem:s19+$0x40];
	(pc) =	sbr.rel @p2 .LBB2_9-.Ltmp5, $4  }
0x1ee: {  	v9 =	vand.u32 $0x7C, v11;
	v11 =	vmov s18;
	s18 =	sadd.s32 $0x2, s0;
	[tilespmem:s19+$0xFFFFFFE0] =	vst v8;
	v8 =	vmul.f32 v10, v2;
	v4 =	vld [tilespmem:s19+$0x50]  }
0x1ef: {  	v10 =	vor.u32 $0x100, v9;
	v9 =	vmov s18;
	[tilespmem:s19+$0xFFFFFFF0] =	vst v5;
	v14 =	vmul.f32 v6, v2;
	v5 =	vld [tilespmem:s19+$0x60]  }
0x1f0: {  	v12 =	vand.u32 $0x7D, v11;
	v11 =	vand.u32 $0x7E, v9;
	[tilespmem:s19+$0x0] =	vst v8;
	v9 =	vmul.f32 v7, v2;
	v7 =	vld [tilespmem:s19+$0x70]  }
0x1f1: {  	s18 =	sadd.s32 $0x3, s0;
	s0 =	sadd.s32 $0x4, s0;
	v6 =	vbroadcast v10, $0x0;
	v12 =	vor.u32 $0x100, v12;
	[tilespmem:s19+$0x10] =	vst v14;
	v10 =	vmul.f32 v13, v2;
	v8 =	vld [tilespmem:s19+$0x80]  }
0x1f2: {  	v14 =	vld [tilespmem:s19+$0x90]  }
0x1f3: {  	v15 =	vld [tilespmem:s19+$0xA0]  }
0x1f4: {  	v16 =	vld [tilespmem:s19+$0xB0]  }
0x1f5: {  	v17 =	vld [tilespmem:s19+$0xC0];
	v3 =	vmul.f32 v3, v2  }
0x1f6: {  	v13 =	vmov s18;
	[tilespmem:s19+$0x20] =	vst v9;
	v32 =	vld [tilespmem:s19+$0xD0]  }
0x1f7: {  	v33 =	vld [tilespmem:s19+$0xE0];
	v13 =	vand.u32 $0x7F, v13;
	[tilespmem:s19+$0x40] =	vst v3;
	v3 =	vmul.f32 v5, v2  }
0x1f8: {  	s0 =	sadd.s32 $0x200, s19;
	[tilespmem:s19+$0x30] =	vst v10;
	v4 =	vmul.f32 v4, v2;
	v34 =	vld.idx.msk [tilespmem:v6+s4+$0x0], $0xffff;
	v13 =	vor.u32 $0x100, v13;
	v2 =	vmul.f32 v7, v2  }
0x1f9: {  	v38 =	vld [tilespmem:s0+$0xF0];
	v13 =	vbroadcast v13, $0x0;
	[tilespmem:s19+$0x60] =	vst v3;
	v3 =	vmul.f32 v8, v1  }
0x1fa: {  	v39 =	vld [tilespmem:s0+$0xFFFFFF00];
	[tilespmem:s19+$0x70] =	vst v2;
	v2 =	vmul.f32 v14, v1  }
0x1fb: {  	v40 =	vld [tilespmem:s0+$0xFFFFFF10];
	[tilespmem:s19+$0x80] =	vst v3;
	v3 =	vmul.f32 v15, v1  }
0x1fc: {  	v41 =	vld [tilespmem:s0+$0xFFFFFF20];
	[tilespmem:s19+$0x90] =	vst v2;
	v2 =	vmul.f32 v16, v1  }
0x1fd: {  	v42 =	vld [tilespmem:s0+$0xFFFFFF50];
	[tilespmem:s19+$0xA0] =	vst v3;
	v3 =	vmul.f32 v17, v1  }
0x1fe: {  	v44 =	vld [tilespmem:s0+$0xFFFFFF60];
	[tilespmem:s16+$0xB0] =	vst v2;
	v2 =	vmul.f32 v32, v1  }
0x1ff: {  	v12 =	vbroadcast v12, $0x0;
	v37 =	vld.idx.msk [tilespmem:v13+s4+$0x0], $0xffff;
	v1 =	vmul.f32 v33, v1;
	[tilespmem:s16+$0xC0] =	vst v3  }
0x200: {  	v3 =	vld [tilespmem:s0+$0xFFFFFF30];
	[tilespmem:s16+$0xD0] =	vst v2  }
0x201: {  	v2 =	vld [tilespmem:s0+$0xFFFFFF40];
	[tilespmem:s16+$0xE0] =	vst v1;
	v1 =	vmul.f32 v39, v34  }
0x202: {  	v45 =	vld [tilespmem:s0+$0xFFFFFF70];
	[tilespmem:s19+$0x50] =	vst v4;
	v43 =	vmul.f32 v40, v34  }
0x203: {  	v46 =	vld [tilespmem:s0+$0xFFFFFF80];
	[tilespmem:s0+$0xFFFFFF00] =	vst v1;
	v1 =	vmul.f32 v41, v34  }
0x204: {  	v47 =	vld [tilespmem:s0+$0xFFFFFFA0];
	[tilespmem:s0+$0xFFFFFF10] =	vst v43;
	v8 =	vmul.f32 v38, v37  }
0x205: {  	v35 =	vld.idx.msk [tilespmem:v12+s4+$0x0], $0xffff;
	v3 =	vmul.f32 v3, v34;
	[tilespmem:s0+$0xFFFFFF20] =	vst v1  }
0x206: {  	v11 =	vor.u32 $0x100, v11;
	[tilespmem:s0+$0xF0] =	vst v8;
	v1 =	vmul.f32 v2, v34;
	v2 =	vld [tilespmem:s0+$0xFFFFFF90]  }
0x207: {  	v11 =	vbroadcast v11, $0x0;
	v48 =	vld [tilespmem:s0+$0xFFFFFFB0];
	[tilespmem:s0+$0xFFFFFF30] =	vst v3;
	v3 =	vmul.f32 v42, v34  }
0x208: {  	v49 =	vld [tilespmem:s0+$0xFFFFFFC0];
	[tilespmem:s0+$0xFFFFFF40] =	vst v1;
	v1 =	vmul.f32 v44, v34  }
0x209: {  	v50 =	vld [tilespmem:s0+$0xFFFFFFD0];
	[tilespmem:s0+$0xFFFFFF50] =	vst v3;
	v3 =	vmul.f32 v45, v34  }
0x20a: {  	v51 =	vld [tilespmem:s0+$0xFFFFFFF0];
	[tilespmem:s0+$0xFFFFFF60] =	vst v1;
	v1 =	vmul.f32 v46, v35  }
0x20b: {  	[tilespmem:s0+$0xFFFFFF70] =	vst v3;
	v2 =	vmul.f32 v2, v35;
	v3 =	vld [tilespmem:s0+$0xFFFFFFE0]  }
0x20c: {  	v52 =	vld [tilespmem:s0+$0x0];
	[tilespmem:s0+$0xFFFFFF80] =	vst v1;
	v1 =	vmul.f32 v47, v35  }
0x20d: {  	v36 =	vld.idx.msk [tilespmem:v11+s4+$0x0], $0xffff;
	[tilespmem:s0+$0xFFFFFF90] =	vst v2;
	v2 =	vmul.f32 v48, v35  }
0x20e: {  	v53 =	vld [tilespmem:s0+$0x10];
	[tilespmem:s0+$0xFFFFFFA0] =	vst v1;
	v1 =	vmul.f32 v49, v35  }
0x20f: {  	v54 =	vld [tilespmem:s0+$0x20];
	[tilespmem:s0+$0xFFFFFFB0] =	vst v2;
	v2 =	vmul.f32 v50, v35  }
0x210: {  	[tilespmem:s0+$0xFFFFFFC0] =	vst v1;
	v1 =	vmul.f32 v3, v35;
	v3 =	vld [tilespmem:s0+$0x30]  }
0x211: {  	v55 =	vld [tilespmem:s0+$0x40];
	[tilespmem:s0+$0xFFFFFFD0] =	vst v2;
	v2 =	vmul.f32 v51, v35  }
0x212: {  	v56 =	vld [tilespmem:s0+$0x50];
	[tilespmem:s0+$0xFFFFFFE0] =	vst v1;
	v1 =	vmul.f32 v52, v36  }
0x213: {  	v57 =	vld [tilespmem:s0+$0x60];
	[tilespmem:s0+$0xFFFFFFF0] =	vst v2;
	v2 =	vmul.f32 v53, v36  }
0x214: {  	v58 =	vld [tilespmem:s0+$0x70];
	[tilespmem:s0+$0x0] =	vst v1;
	v1 =	vmul.f32 v54, v36  }
0x215: {  	[tilespmem:s0+$0x10] =	vst v2;
	v2 =	vmul.f32 v3, v36;
	v3 =	vld [tilespmem:s0+$0x80]  }
0x216: {  	v59 =	vld [tilespmem:s0+$0x90];
	[tilespmem:s0+$0x20] =	vst v1;
	v1 =	vmul.f32 v55, v36  }
0x217: {  	v60 =	vld [tilespmem:s0+$0xA0];
	[tilespmem:s0+$0x30] =	vst v2;
	v2 =	vmul.f32 v56, v36  }
0x218: {  	v61 =	vld [tilespmem:s0+$0xB0];
	[tilespmem:s0+$0x40] =	vst v1;
	v1 =	vmul.f32 v57, v36  }
0x219: {  	v62 =	vld [tilespmem:s0+$0xC0];
	[tilespmem:s0+$0x50] =	vst v2;
	v2 =	vmul.f32 v58, v36  }
0x21a: {  	[tilespmem:s0+$0x60] =	vst v1;
	v1 =	vmul.f32 v3, v37;
	v3 =	vld [tilespmem:s0+$0xD0]  }
0x21b: {  	v63 =	vld [tilespmem:s0+$0xE0];
	[tilespmem:s0+$0x70] =	vst v2;
	v2 =	vmul.f32 v59, v37  }
0x21c: {  	[tilespmem:s0+$0x80] =	vst v1;
	v1 =	vmul.f32 v60, v37  }
0x21d: {  	[tilespmem:s0+$0x90] =	vst v2;
	v2 =	vmul.f32 v61, v37  }
0x21e: {  	[tilespmem:s0+$0xA0] =	vst v1;
	v1 =	vmul.f32 v62, v37  }
0x21f: {  	[tilespmem:s0+$0xB0] =	vst v2;
	v2 =	vmul.f32 v3, v37  }
0x220: {  	[tilespmem:s0+$0xC0] =	vst v1;
	v1 =	vmul.f32 v63, v37  }
0x221: {  	[tilespmem:s0+$0xD0] =	vst v2  }
0x222: {  	[tilespmem:s0+$0xE0] =	vst v1  }
0x223: {  	_ =	swait.ge [sflag:s31], $0x4000  }
0x224: {  	[sflag:s31] =	ssyncset.done $0x0  }
.Ltmp6:
0x225: {  	[sflag:s31] =	ssyncadd.s32 $0xFFFFC000;
	(pc) =	sbr.rel @p1 .LBB2_12-.Ltmp6, $4  }
0x226: {  	_ =	swait.ge [sflag:s13], $0x80  }
0x227: {  	[sflag:s13] =	ssyncset.done $0x0  }
0x228: {  	[sflag:s13] =	ssyncadd.s32 $0xFFFFFF80  }
0x229: {  	[spmem:s3] =	stream.indirect.scatter.add.f32 [tilespmem:s25], [sflag:$0x6], $0x80, s23, s10, $0xb8;
	[tilespmem:$0x1FE80] =	vst v63  }
0x22a: {  	s0 =	sadd.s32 s9, s14  }
0x22b: {  	s0 =	sshrl.u32 s0, $0x3  }
0x22c: {  	s0 =	sadd.s32 s2, s0  }
0x22d: {  	[tilespmem:s15], [sflag:$0xB] =	stream.linear.gather [hbm4b:s0+s5], $0x80, $0x38;
	[tilespmem:$0x1FE80] =	vst v63  }
0x22e: {  	_ =	swait.ge [sflag:s17], $0x80  }
0x22f: {  	[sflag:s17] =	ssyncset.done $0x0  }
0x230: {  	[sflag:s17] =	ssyncadd.s32 $0xFFFFFF80  }
0x231: {  	_ =	swait.ge [sflag:s17], $0x80  }
0x232: {  	[sflag:s17] =	ssyncset.done $0x0;
	s16 =	rddreg [dreg:$0x1b]  }
0x233: {  	[sflag:s17] =	ssyncadd.s32 $0xFFFFFF80;
	s0 =	sadd.s32 s12, s16  }
0x234: {  	[tilespmem:s20], [sflag:$0x2] =	stream.indirect.gather [hbm4b:s1+s10], $0x80, s10, s10, $0xb8;
	[tilespmem:$0x1FE80] =	vst v63  }
.Ltmp7:
0x235: {  	s0 =	sshrl.u32 s0, $0x3;
	(pc) =	sbr.rel .LBB2_4-.Ltmp7, $4  }
0x236: {  	s18 =	sadd.s32 s6, s0  }
0x237: {  	[tilespmem:s11], [sflag:$0x9] =	stream.linear.gather [hbm4b:s18+s5], $0x80, $0x38;
	[tilespmem:$0x1FE80] =	vst v63  }
0x238: {  	s19 =	simm.s32 $0x500;
	s8 =	sadd.s32 $0x1, s8;
	s0 =	sadd.s32 s7, s0  }
0x239: {  	[tilespmem:s19], [sflag:$0x9] =	stream.linear.gather [hbm4b:s0+s5], $0x80, $0x38;
	[tilespmem:$0x1FE80] =	vst v63  }
.LBB2_13:
0x23a: {  	_ =	sfence.sel $0x180000  }
0x23b: {  	[bflag:$0x0] =	sbarrier.arrive $0xFFFF  }
0x23c: {  	_ =	strace $0x90000047  }
0x23d: {  	s0 =	stileid.u32;
	[bflag:$0x2] =	sbarrier.arrive $0xFFFF  }
0x23e: {  	p0 =	sne.s32 s0, $0x0;
	s0 =	rddreg [dreg:$0x4]  }
0x23f: {  	s0 =	sadd.s32 @!p0 $0x100000, s0  }
0x240: {  	[sflag:s0] =	ssyncadd.tile.s32 @!p0 $0x1;
	_ =	shalt  }
.Lfunc_end2:
_tile_overlayer_lowered:
.L_overlay_start_2:
0x241: {  	(tag) =	ssettag $0x2  }
0x242: {  	s0 =	rddreg [dreg:$0x0];
	s2 =	stileid.u32  }
0x243: {  	s1 =	rddreg [dreg:$0x1];
	p0 =	sne.s32 s2, $0x0  }
0x244: {  	s3 =	rddreg [dreg:$0x2];
	[bflag:$0x3] =	sbarrier.arrive $0xFFFF;
	s2 =	simm.s32 @!p0 $0x1C0D  }
0x245: {  	[timem:s3], [sflag:s2] =	dma.local @!p0 [hbm:s0], s1  }
0x246: {  	s0 =	simm.s32 @!p0 $0xD  }
0x247: {  	_ =	swait.ge @!p0 [sflag:s0], s1  }
0x248: {  	s1 =	ssub.s32 @!p0 $0x0, s1;
	[sflag:s0] =	ssyncset.done @!p0 $0x0  }
0x249: {  	[sflag:s0] =	ssyncadd.s32 @!p0 s1  }
0x24a: {  	[bflag:$0x3] =	sbarrier.arrive $0xFFFF  }
0x24b: {  	_ =	shalt  }

</sc_bundles>
